<compile_context>
chip_gen: v7x
topology: tpu7x:2x2x1
jax: 0.10.2.dev20260603
libtpu: 0.0.44.dev20260713+nightly
codegen_flags: <defaults>
</compile_context>

<pallas_src>
import dataclasses
import functools

import jax
import jax.numpy as jnp
from jax import lax
from jax.experimental import pallas as pl
from jax.experimental.pallas import tpu as pltpu
from jax.experimental.pallas import tpu_sc as plsc

_N = 10000
_E = 320000
_D = 128
_NC = 2
_NS = 16
_NW = _NC * _NS
_BLK = 128
_NBLK = 80
_EPAD = _NW * _NBLK * _BLK
_NPAD = 10240
_STRIPE = _NPAD // _NS
_DEGW = 16
_RB = 1000

_mesh = plsc.VectorSubcoreMesh(core_axis_name="c", subcore_axis_name="s")


_cp_no_layout = pltpu.CompilerParams()
if "needs_layout_passes" in pltpu.CompilerParams.__dataclass_fields__:
  _cp_no_layout = dataclasses.replace(_cp_no_layout, needs_layout_passes=False)


def _deg_body(dst_hbm, out_hbm, dst_v, deg_l, sem):
  c = lax.axis_index("c")
  s = lax.axis_index("s")
  wid = c * _NS + s
  pltpu.async_copy(dst_hbm.at[wid], dst_v, sem).wait()

  @pl.loop(0, _NPAD // 16)
  def _(i):
    deg_l[pl.ds(i * 16, 16)] = jnp.zeros((16,), jnp.float32)

  ones16 = jnp.ones((16,), jnp.float32)

  @pl.loop(0, _NBLK)
  def _(j):
    @pl.loop(0, _BLK // 16)
    def _(cc):
      idx = dst_v[j, pl.ds(cc * 16, 16)]
      plsc.addupdate_scatter(deg_l, [idx], ones16)

  pltpu.sync_copy(deg_l, out_hbm.at[wid])


_deg_kernel = functools.partial(
    pl.kernel,
    out_type=jax.ShapeDtypeStruct((_NW, _NPAD), jnp.float32),
    mesh=_mesh,
    compiler_params=_cp_no_layout,
    scratch_types=[
        pltpu.VMEM((_NBLK, _BLK), jnp.int32),
        pltpu.VMEM((_NPAD,), jnp.float32),
        pltpu.SemaphoreType.DMA,
    ],
)(_deg_body)


_HB = _NBLK // 2


def _scatter_body(g_hbm, src_hbm, dst_hbm, z_hbm, out_hbm,
                  src_v, dst_v, rows0, rows1, acc, sem, semA, semB):
  c = lax.axis_index("c")
  s = lax.axis_index("s")
  wid = c * _NS + s
  stripe = pl.ds(s * _STRIPE, _STRIPE)
  pltpu.sync_copy(z_hbm, acc.at[stripe])
  plsc.subcore_barrier()

  def _gather(j, buf, gsem):
    pltpu.async_copy(g_hbm.at[src_v.at[j].at[pl.ds(0, 64)]],
                     buf.at[pl.ds(0, 64)], gsem)
    pltpu.async_copy(g_hbm.at[src_v.at[j].at[pl.ds(64, 64)]],
                     buf.at[pl.ds(64, 64)], gsem)

  for half in range(2):
    base = half * _HB
    pltpu.async_copy(src_hbm.at[wid].at[pl.ds(base, _HB)], src_v, sem).wait()
    pltpu.async_copy(dst_hbm.at[wid].at[pl.ds(base, _HB)], dst_v, sem).wait()
    _gather(0, rows0, semA)

    @pl.loop(0, _HB // 2)
    def _(p):
      j0 = 2 * p
      pltpu.make_async_copy(g_hbm.at[src_v.at[0]], rows0, semA).wait()
      _gather(j0 + 1, rows1, semB)
      pltpu.sync_copy(rows0, acc.at[dst_v.at[j0]], add=True)
      pltpu.make_async_copy(g_hbm.at[src_v.at[0]], rows1, semB).wait()
      jn = jnp.where(j0 + 2 < _HB, j0 + 2, 0)
      _gather(jn, rows0, semA)
      pltpu.sync_copy(rows1, acc.at[dst_v.at[j0 + 1]], add=True)

    pltpu.make_async_copy(g_hbm.at[src_v.at[0]], rows0, semA).wait()

  plsc.subcore_barrier()
  pltpu.sync_copy(acc.at[stripe], out_hbm.at[c].at[stripe])


_scatter_kernel = functools.partial(
    pl.kernel,
    out_type=jax.ShapeDtypeStruct((_NC, _NPAD, _D), jnp.float32),
    mesh=_mesh,
    scratch_types=[
        pltpu.VMEM((_HB, _BLK), jnp.int32),
        pltpu.VMEM((_HB, _BLK), jnp.int32),
        pltpu.VMEM((_BLK, _D), jnp.float32),
        pltpu.VMEM((_BLK, _D), jnp.float32),
        pltpu.VMEM_SHARED((_NPAD, _D), jnp.float32),
        pltpu.SemaphoreType.DMA,
        pltpu.SemaphoreType.DMA,
        pltpu.SemaphoreType.DMA,
    ],
)(_scatter_body)



def _matmul_body(x_ref, w_ref, o_ref):
  o_ref[...] = jnp.dot(x_ref[...], w_ref[...],
                       preferred_element_type=jnp.float32)


def _tc_matmul(x, w):
  return pl.pallas_call(
      _matmul_body,
      grid=(_N // _RB,),
      in_specs=[
          pl.BlockSpec((_RB, _D), lambda i: (i, 0)),
          pl.BlockSpec((_D, _D), lambda i: (0, 0)),
      ],
      out_specs=pl.BlockSpec((_RB, _D), lambda i: (i, 0)),
      out_shape=jax.ShapeDtypeStruct((_N, _D), jnp.float32),
  )(x, w)


def _dinv_of(dp):
  deg = jnp.sum(dp, axis=1, keepdims=True) + 1.0
  return lax.rsqrt(deg)


def _scale_body(h_ref, dp_ref, o_ref):
  dinv = _dinv_of(dp_ref[...])
  o_ref[...] = h_ref[...] * dinv


def _tc_scale(h, deg_parts):
  return pl.pallas_call(
      _scale_body,
      grid=(_N // _RB,),
      in_specs=[
          pl.BlockSpec((_RB, _D), lambda i: (i, 0)),
          pl.BlockSpec((_RB, _NW), lambda i: (i, 0)),
      ],
      out_specs=pl.BlockSpec((_RB, _D), lambda i: (i, 0)),
      out_shape=jax.ShapeDtypeStruct((_N, _D), jnp.float32),
  )(h, deg_parts)


def _mid_body(agg_ref, g_ref, dp_ref, b_ref, w_ref, out1_ref, g2_ref):
  dinv = _dinv_of(dp_ref[...])
  a = agg_ref[...]
  ssum = a[0] + a[1] + g_ref[...]
  out1 = jax.nn.relu(ssum * dinv + b_ref[...][None, :])
  out1_ref[...] = out1
  h2 = jnp.dot(out1, w_ref[...], preferred_element_type=jnp.float32)
  g2_ref[...] = h2 * dinv


def _tc_mid(agg_parts, g1, deg_parts, b1, w2):
  return pl.pallas_call(
      _mid_body,
      grid=(_N // _RB,),
      in_specs=[
          pl.BlockSpec((_NC, _RB, _D), lambda i: (0, i, 0)),
          pl.BlockSpec((_RB, _D), lambda i: (i, 0)),
          pl.BlockSpec((_RB, _NW), lambda i: (i, 0)),
          pl.BlockSpec((_D,), lambda i: (0,)),
          pl.BlockSpec((_D, _D), lambda i: (0, 0)),
      ],
      out_specs=[
          pl.BlockSpec((_RB, _D), lambda i: (i, 0)),
          pl.BlockSpec((_RB, _D), lambda i: (i, 0)),
      ],
      out_shape=[
          jax.ShapeDtypeStruct((_N, _D), jnp.float32),
          jax.ShapeDtypeStruct((_N, _D), jnp.float32),
      ],
  )(agg_parts, g1, deg_parts, b1, w2)


def _final_body(agg_ref, g_ref, dp_ref, b_ref, out_ref):
  dinv = _dinv_of(dp_ref[...])
  a = agg_ref[...]
  ssum = a[0] + a[1] + g_ref[...]
  out_ref[...] = jax.nn.relu(ssum * dinv + b_ref[...][None, :])


def _tc_final(agg_parts, g2, deg_parts, b2):
  return pl.pallas_call(
      _final_body,
      grid=(_N // _RB,),
      in_specs=[
          pl.BlockSpec((_NC, _RB, _D), lambda i: (0, i, 0)),
          pl.BlockSpec((_RB, _D), lambda i: (i, 0)),
          pl.BlockSpec((_RB, _NW), lambda i: (i, 0)),
          pl.BlockSpec((_D,), lambda i: (0,)),
      ],
      out_specs=pl.BlockSpec((_RB, _D), lambda i: (i, 0)),
      out_shape=jax.ShapeDtypeStruct((_N, _D), jnp.float32),
  )(agg_parts, g2, deg_parts, b2)


def kernel(x, edge_index, W1, b1, W2, b2):
  src = edge_index[0]
  dst = edge_index[1]
  npad = _EPAD - _E
  pad_src = (jnp.arange(npad, dtype=jnp.int32) * 997) % _N
  pad_dst = _N + (jnp.arange(npad, dtype=jnp.int32) % (_NPAD - _N))
  srcp = jnp.concatenate([src, pad_src]).reshape(_NW, _NBLK, _BLK)
  dstp = jnp.concatenate([dst, pad_dst]).reshape(_NW, _NBLK, _BLK)

  z_row = jnp.zeros((_STRIPE, _D), jnp.float32)

  deg_raw = _deg_kernel(dstp)
  deg_parts = deg_raw.T
  h1 = _tc_matmul(x, W1)
  g1 = _tc_scale(h1, deg_parts)
  agg1 = _scatter_kernel(g1, srcp, dstp, z_row)
  out1, g2 = _tc_mid(agg1, g1, deg_parts, b1, W2)
  agg2 = _scatter_kernel(g2, srcp, dstp, z_row)
  out2 = _tc_final(agg2, g2, deg_parts, b2)
  return jnp.concatenate([out1, out2], axis=1)

# --- scband reference (transcript-rebuilt; emitter-appended) ---
"""Pipeline reference for scband-gcnencoder-42640435314994 (READ-ONLY COPY).

The authoritative reference and input builder live on the scoring server;
editing this copy changes nothing except your own understanding.
"""

import jax, jax.numpy as jnp
import numpy as np

N = 10000
E = 320000
D_IN = 128
D_HID = 128


def gcn_conv(x, edge_index, W, b):
    # Faithful to PyG GCNConv defaults: add self-loops, symmetric normalization
    # D^{-1/2} (A + I) D^{-1/2}, linear transform, then bias.
    n = x.shape[0]
    src = edge_index[0]
    dst = edge_index[1]
    loop = jnp.arange(n, dtype=edge_index.dtype)
    src = jnp.concatenate([src, loop])
    dst = jnp.concatenate([dst, loop])
    w = jnp.ones(src.shape[0], dtype=x.dtype)
    deg = jax.ops.segment_sum(w, dst, num_segments=n)
    dinv = jnp.where(deg > 0, jax.lax.rsqrt(jnp.maximum(deg, 1e-12)), 0.0)
    norm = dinv[src] * w * dinv[dst]
    h = x @ W                      # dense transform
    msg = h[src] * norm[:, None]   # gather + scale (memory-bound)
    out = jax.ops.segment_sum(msg, dst, num_segments=n)  # scatter-add
    return out + b


def setup_inputs(seed: int = 0) -> dict:
    key = jax.random.key(seed)
    k1, k2, k3, k4, k5, k6 = jax.random.split(key, 6)
    x = jax.random.normal(k1, (N, D_IN), dtype=jnp.float32)
    edge_index = jax.random.randint(k2, (2, E), 0, N, dtype=jnp.int32)
    W1 = jax.random.normal(k3, (D_IN, D_HID), dtype=jnp.float32) * (1.0 / np.sqrt(D_IN))
    b1 = jnp.zeros((D_HID,), dtype=jnp.float32)
    W2 = jax.random.normal(k4, (D_HID, D_HID), dtype=jnp.float32) * (1.0 / np.sqrt(D_HID))
    b2 = jnp.zeros((D_HID,), dtype=jnp.float32)
    return {"x": x, "edge_index": edge_index, "W1": W1, "b1": b1, "W2": W2, "b2": b2}


def reference(x, edge_index, W1, b1, W2, b2):
    outs = []
    h = x
    h = jax.nn.relu(gcn_conv(h, edge_index, W1, b1))
    outs.append(h)
    h = jax.nn.relu(gcn_conv(h, edge_index, W2, b2))
    outs.append(h)
    return jnp.concatenate(outs, axis=1)

if __name__ == "__main__":
    import jax
    _d = setup_inputs()
    print(jax.jit(kernel)(*tuple(_d.values())))

</pallas_src>

<mosaic_0001>
#map = affine_map<(d0, d1) -> (0, 0, 0)>
#map1 = affine_map<(d0, d1) -> (0, 0)>
module attributes {stable_mosaic.version = 14 : i64} {
  func.func @_deg_body(%arg0: i32, %arg1: i32, %arg2: memref<32x80x128xi32, #tpu.memory_space<hbm>>, %arg3: memref<32x10240xf32, #tpu.memory_space<hbm>>, %arg4: memref<80x128xi32, #tpu.memory_space<vmem>>, %arg5: memref<10240xf32, #tpu.memory_space<vmem>>, %arg6: memref<!tpu.dma_semaphore, #tpu.memory_space<semaphore_mem>>) attributes {dimension_semantics = [#tpu.dimension_semantics<core_parallel>, #tpu.dimension_semantics<subcore_parallel>], iteration_bounds = array<i64: 2, 16>, scalar_prefetch = 0 : i64, scratch_operands = 3 : i64, tpu.core_type = #tpu.core_type<sc_vector_subcore>, window_params = [{transform_indices = #map}, {transform_indices = #map1}]} {
    %mul3A = arith.constant 16 : i32
    %mul3A_0 = arith.muli %arg0, %mul3A : i32
    %add3A = arith.addi %mul3A_0, %arg1 : i32
    %dma_start3A = arith.constant 0 : i32
    %dma_start3A_1 = arith.constant 0 : i32
    %dma_start3A_2 = tpu.memref_slice %arg2[%add3A, %dma_start3A, %dma_start3A_1] : memref<32x80x128xi32, #tpu.memory_space<hbm>> -> memref<1x80x128xi32, #tpu.memory_space<hbm>>
    %dma_start3A_3 = tpu.memref_squeeze %dma_start3A_2 : memref<1x80x128xi32, #tpu.memory_space<hbm>> -> memref<80x128xi32, #tpu.memory_space<hbm>>
    %dma_start3A_4 = arith.constant 0 : i32
    %dma_start3A_5 = arith.constant 0 : i32
    %dma_start3A_6 = tpu.memref_slice %arg2[%add3A, %dma_start3A_4, %dma_start3A_5] : memref<32x80x128xi32, #tpu.memory_space<hbm>> -> memref<1x80x128xi32, #tpu.memory_space<hbm>>
    %dma_start3A_7 = tpu.memref_squeeze %dma_start3A_6 : memref<1x80x128xi32, #tpu.memory_space<hbm>> -> memref<80x128xi32, #tpu.memory_space<hbm>>
    tpu.enqueue_dma source(%dma_start3A_7 : memref<80x128xi32, #tpu.memory_space<hbm>>) target(%arg4 : memref<80x128xi32, #tpu.memory_space<vmem>>) target_semaphore(%arg6 : memref<!tpu.dma_semaphore, #tpu.memory_space<semaphore_mem>>)
    %dma_wait3A = arith.constant 0 : i32
    %dma_wait3A_8 = arith.constant 0 : i32
    %dma_wait3A_9 = tpu.memref_slice %arg2[%add3A, %dma_wait3A, %dma_wait3A_8] : memref<32x80x128xi32, #tpu.memory_space<hbm>> -> memref<1x80x128xi32, #tpu.memory_space<hbm>>
    %dma_wait3A_10 = tpu.memref_squeeze %dma_wait3A_9 : memref<1x80x128xi32, #tpu.memory_space<hbm>> -> memref<80x128xi32, #tpu.memory_space<hbm>>
    %dma_wait3A_11 = arith.constant 0 : i32
    %dma_wait3A_12 = arith.constant 0 : i32
    %dma_wait3A_13 = tpu.memref_slice %arg2[%add3A, %dma_wait3A_11, %dma_wait3A_12] : memref<32x80x128xi32, #tpu.memory_space<hbm>> -> memref<1x80x128xi32, #tpu.memory_space<hbm>>
    %dma_wait3A_14 = tpu.memref_squeeze %dma_wait3A_13 : memref<1x80x128xi32, #tpu.memory_space<hbm>> -> memref<80x128xi32, #tpu.memory_space<hbm>>
    tpu.wait_dma2 semaphore(%arg6 : memref<!tpu.dma_semaphore, #tpu.memory_space<semaphore_mem>>) src(%dma_wait3A_14 : memref<80x128xi32, #tpu.memory_space<hbm>>) dst(%arg4 : memref<80x128xi32, #tpu.memory_space<vmem>>)
    %scan3A = arith.constant 0 : i32
    %scan3A_15 = arith.constant 640 : i32
    %scan3A_16 = arith.addi %scan3A, %scan3A_15 : i32
    %scan3A_17 = arith.constant 1 : i32
    scf.for %scan3A_25 = %scan3A to %scan3A_16 step %scan3A_17  : i32 {
      %mul3A_26 = arith.constant 1 : i32
      %mul3A_27 = arith.muli %scan3A_25, %mul3A_26 : i32
      %add3A_28 = arith.constant 0 : i32
      %add3A_29 = arith.addi %add3A_28, %mul3A_27 : i32
      %broadcast_in_dim3A_30 = arith.constant 0.000000e+00 : f32
      %broadcast_in_dim3A_31 = vector.broadcast %broadcast_in_dim3A_30 : f32 to vector<16xf32>
      %mul3A_32 = arith.constant 16 : i32
      %mul3A_33 = arith.muli %add3A_29, %mul3A_32 : i32
      %swap3A = arith.index_cast %mul3A_33 : i32 to index
      %swap3A_34 = tpu.vector_load %arg5[%swap3A] {strides = array<i32>} : memref<10240xf32, #tpu.memory_space<vmem>>, vector<16xf32>,
      tpu.vector_store %arg5[%swap3A], %broadcast_in_dim3A_31 {strides = array<i32>} : memref<10240xf32, #tpu.memory_space<vmem>>, vector<16xf32>,
    }
    %scan3A_18 = arith.constant 640 : i32
    %broadcast_in_dim3A = arith.constant 1.000000e+00 : f32
    %broadcast_in_dim3A_19 = vector.broadcast %broadcast_in_dim3A : f32 to vector<16xf32>
    %scan3A_20 = arith.constant 0 : i32
    %scan3A_21 = arith.constant 80 : i32
    %scan3A_22 = arith.addi %scan3A_20, %scan3A_21 : i32
    %scan3A_23 = arith.constant 1 : i32
    scf.for %scan3A_25 = %scan3A_20 to %scan3A_22 step %scan3A_23  : i32 {
      %mul3A_26 = arith.constant 1 : i32
      %mul3A_27 = arith.muli %scan3A_25, %mul3A_26 : i32
      %add3A_28 = arith.constant 0 : i32
      %add3A_29 = arith.addi %add3A_28, %mul3A_27 : i32
      %scan3A_30 = arith.constant 0 : i32
      %scan3A_31 = arith.constant 8 : i32
      %scan3A_32 = arith.addi %scan3A_30, %scan3A_31 : i32
      %scan3A_33 = arith.constant 1 : i32
      scf.for %scan3A_35 = %scan3A_30 to %scan3A_32 step %scan3A_33  : i32 {
        %mul3A_36 = arith.constant 1 : i32
        %mul3A_37 = arith.muli %scan3A_35, %mul3A_36 : i32
        %add3A_38 = arith.constant 0 : i32
        %add3A_39 = arith.addi %add3A_38, %mul3A_37 : i32
        %mul3A_40 = arith.constant 16 : i32
        %mul3A_41 = arith.muli %add3A_39, %mul3A_40 : i32
        %get3A = arith.index_cast %add3A_29 : i32 to index
        %get3A_42 = arith.index_cast %mul3A_41 : i32 to index
        %get3A_43 = tpu.vector_load %arg4[%get3A, %get3A_42] {strides = array<i32>} : memref<80x128xi32, #tpu.memory_space<vmem>>, vector<16xi32>,
        tpu.vector_store_idx %arg5[%get3A_43], %broadcast_in_dim3A_19 {add = true} : memref<10240xf32, #tpu.memory_space<vmem>>[vector<16xi32>], vector<16xf32>,
      }
      %scan3A_34 = arith.constant 8 : i32
    }
    %scan3A_24 = arith.constant 80 : i32
    "tpu.region"() ({
      %run_scoped3A = tpu.sem_alloc : memref<!tpu.dma_semaphore, #tpu.memory_space<semaphore_mem>>
      %dma_start3A_25 = arith.constant 0 : i32
      %dma_start3A_26 = tpu.memref_slice %arg3[%add3A, %dma_start3A_25] : memref<32x10240xf32, #tpu.memory_space<hbm>> -> memref<1x10240xf32, #tpu.memory_space<hbm>>
      %dma_start3A_27 = tpu.memref_squeeze %dma_start3A_26 : memref<1x10240xf32, #tpu.memory_space<hbm>> -> memref<10240xf32, #tpu.memory_space<hbm>>
      %dma_start3A_28 = arith.constant 0 : i32
      %dma_start3A_29 = tpu.memref_slice %arg3[%add3A, %dma_start3A_28] : memref<32x10240xf32, #tpu.memory_space<hbm>> -> memref<1x10240xf32, #tpu.memory_space<hbm>>
      %dma_start3A_30 = tpu.memref_squeeze %dma_start3A_29 : memref<1x10240xf32, #tpu.memory_space<hbm>> -> memref<10240xf32, #tpu.memory_space<hbm>>
      tpu.enqueue_dma source(%arg5 : memref<10240xf32, #tpu.memory_space<vmem>>) target(%dma_start3A_30 : memref<10240xf32, #tpu.memory_space<hbm>>) target_semaphore(%run_scoped3A : memref<!tpu.dma_semaphore, #tpu.memory_space<semaphore_mem>>)
      %dma_wait3A_31 = arith.constant 0 : i32
      %dma_wait3A_32 = tpu.memref_slice %arg3[%add3A, %dma_wait3A_31] : memref<32x10240xf32, #tpu.memory_space<hbm>> -> memref<1x10240xf32, #tpu.memory_space<hbm>>
      %dma_wait3A_33 = tpu.memref_squeeze %dma_wait3A_32 : memref<1x10240xf32, #tpu.memory_space<hbm>> -> memref<10240xf32, #tpu.memory_space<hbm>>
      %dma_wait3A_34 = arith.constant 0 : i32
      %dma_wait3A_35 = tpu.memref_slice %arg3[%add3A, %dma_wait3A_34] : memref<32x10240xf32, #tpu.memory_space<hbm>> -> memref<1x10240xf32, #tpu.memory_space<hbm>>
      %dma_wait3A_36 = tpu.memref_squeeze %dma_wait3A_35 : memref<1x10240xf32, #tpu.memory_space<hbm>> -> memref<10240xf32, #tpu.memory_space<hbm>>
      tpu.wait_dma2 semaphore(%run_scoped3A : memref<!tpu.dma_semaphore, #tpu.memory_space<semaphore_mem>>) src(%arg5 : memref<10240xf32, #tpu.memory_space<vmem>>) dst(%dma_wait3A_36 : memref<10240xf32, #tpu.memory_space<hbm>>)
      tpu.yield
    }) : () -> ()
    return
  }
}

#map = affine_map<(d0, d1) -> (0, 0)>
#map1 = affine_map<(d0, d1) -> (0, 0, 0)>
module attributes {stable_mosaic.version = 14 : i64} {
  func.func @_scatter_body(%arg0: i32, %arg1: i32, %arg2: memref<10000x128xf32, #tpu.memory_space<hbm>>, %arg3: memref<32x80x128xi32, #tpu.memory_space<hbm>>, %arg4: memref<32x80x128xi32, #tpu.memory_space<hbm>>, %arg5: memref<640x128xf32, #tpu.memory_space<hbm>>, %arg6: memref<2x10240x128xf32, #tpu.memory_space<hbm>>, %arg7: memref<40x128xi32, #tpu.memory_space<vmem>>, %arg8: memref<40x128xi32, #tpu.memory_space<vmem>>, %arg9: memref<128x128xf32, #tpu.memory_space<vmem>>, %arg10: memref<128x128xf32, #tpu.memory_space<vmem>>, %arg11: memref<10240x128xf32, #tpu.memory_space<vmem_shared>>, %arg12: memref<!tpu.dma_semaphore, #tpu.memory_space<semaphore_mem>>, %arg13: memref<!tpu.dma_semaphore, #tpu.memory_space<semaphore_mem>>, %arg14: memref<!tpu.dma_semaphore, #tpu.memory_space<semaphore_mem>>) attributes {dimension_semantics = [#tpu.dimension_semantics<core_parallel>, #tpu.dimension_semantics<subcore_parallel>], iteration_bounds = array<i64: 2, 16>, scalar_prefetch = 0 : i64, scratch_operands = 8 : i64, tpu.core_type = #tpu.core_type<sc_vector_subcore>, window_params = [{transform_indices = #map}, {transform_indices = #map1}, {transform_indices = #map1}, {transform_indices = #map}, {transform_indices = #map1}]} {
    %mul3A = arith.constant 16 : i32
    %mul3A_0 = arith.muli %arg0, %mul3A : i32
    %add3A = arith.addi %mul3A_0, %arg1 : i32
    %mul3A_1 = arith.constant 640 : i32
    %mul3A_2 = arith.muli %arg1, %mul3A_1 : i32
    "tpu.region"() ({
      %run_scoped3A = tpu.sem_alloc : memref<!tpu.dma_semaphore, #tpu.memory_space<semaphore_mem>>
      %dma_start3A_185 = arith.constant 0 : i32
      %dma_start3A_186 = tpu.memref_slice %arg11[%mul3A_2, %dma_start3A_185] : memref<10240x128xf32, #tpu.memory_space<vmem_shared>> -> memref<640x128xf32, #tpu.memory_space<vmem_shared>>
      tpu.enqueue_dma source(%arg5 : memref<640x128xf32, #tpu.memory_space<hbm>>) target(%dma_start3A_186 : memref<640x128xf32, #tpu.memory_space<vmem_shared>>) target_semaphore(%run_scoped3A : memref<!tpu.dma_semaphore, #tpu.memory_space<semaphore_mem>>)
      %dma_wait3A_187 = arith.constant 0 : i32
      %dma_wait3A_188 = tpu.memref_slice %arg11[%mul3A_2, %dma_wait3A_187] : memref<10240x128xf32, #tpu.memory_space<vmem_shared>> -> memref<640x128xf32, #tpu.memory_space<vmem_shared>>
      tpu.wait_dma2 semaphore(%run_scoped3A : memref<!tpu.dma_semaphore, #tpu.memory_space<semaphore_mem>>) src(%arg5 : memref<640x128xf32, #tpu.memory_space<hbm>>) dst(%dma_wait3A_188 : memref<640x128xf32, #tpu.memory_space<vmem_shared>>)
      tpu.yield
    }) : () -> ()
    %barrier3A = arith.constant 0 : index
    tpu.barrier barrier_id(%barrier3A)
    %dma_start3A = arith.constant 0 : i32
    %dma_start3A_3 = arith.constant 0 : i32
    %dma_start3A_4 = tpu.memref_slice %arg3[%add3A, %dma_start3A, %dma_start3A_3] : memref<32x80x128xi32, #tpu.memory_space<hbm>> -> memref<1x80x128xi32, #tpu.memory_space<hbm>>
    %dma_start3A_5 = tpu.memref_squeeze %dma_start3A_4 : memref<1x80x128xi32, #tpu.memory_space<hbm>> -> memref<80x128xi32, #tpu.memory_space<hbm>>
    %dma_start3A_6 = arith.constant 0 : i32
    %dma_start3A_7 = arith.constant 0 : i32
    %dma_start3A_8 = tpu.memref_slice %dma_start3A_5[%dma_start3A_6, %dma_start3A_7] : memref<80x128xi32, #tpu.memory_space<hbm>> -> memref<40x128xi32, #tpu.memory_space<hbm>>
    %dma_start3A_9 = arith.constant 0 : i32
    %dma_start3A_10 = arith.constant 0 : i32
    %dma_start3A_11 = tpu.memref_slice %arg3[%add3A, %dma_start3A_9, %dma_start3A_10] : memref<32x80x128xi32, #tpu.memory_space<hbm>> -> memref<1x80x128xi32, #tpu.memory_space<hbm>>
    %dma_start3A_12 = tpu.memref_squeeze %dma_start3A_11 : memref<1x80x128xi32, #tpu.memory_space<hbm>> -> memref<80x128xi32, #tpu.memory_space<hbm>>
    %dma_start3A_13 = arith.constant 0 : i32
    %dma_start3A_14 = arith.constant 0 : i32
    %dma_start3A_15 = tpu.memref_slice %dma_start3A_12[%dma_start3A_13, %dma_start3A_14] : memref<80x128xi32, #tpu.memory_space<hbm>> -> memref<40x128xi32, #tpu.memory_space<hbm>>
    tpu.enqueue_dma source(%dma_start3A_15 : memref<40x128xi32, #tpu.memory_space<hbm>>) target(%arg7 : memref<40x128xi32, #tpu.memory_space<vmem>>) target_semaphore(%arg12 : memref<!tpu.dma_semaphore, #tpu.memory_space<semaphore_mem>>)
    %dma_wait3A = arith.constant 0 : i32
    %dma_wait3A_16 = arith.constant 0 : i32
    %dma_wait3A_17 = tpu.memref_slice %arg3[%add3A, %dma_wait3A, %dma_wait3A_16] : memref<32x80x128xi32, #tpu.memory_space<hbm>> -> memref<1x80x128xi32, #tpu.memory_space<hbm>>
    %dma_wait3A_18 = tpu.memref_squeeze %dma_wait3A_17 : memref<1x80x128xi32, #tpu.memory_space<hbm>> -> memref<80x128xi32, #tpu.memory_space<hbm>>
    %dma_wait3A_19 = arith.constant 0 : i32
    %dma_wait3A_20 = arith.constant 0 : i32
    %dma_wait3A_21 = tpu.memref_slice %dma_wait3A_18[%dma_wait3A_19, %dma_wait3A_20] : memref<80x128xi32, #tpu.memory_space<hbm>> -> memref<40x128xi32, #tpu.memory_space<hbm>>
    %dma_wait3A_22 = arith.constant 0 : i32
    %dma_wait3A_23 = arith.constant 0 : i32
    %dma_wait3A_24 = tpu.memref_slice %arg3[%add3A, %dma_wait3A_22, %dma_wait3A_23] : memref<32x80x128xi32, #tpu.memory_space<hbm>> -> memref<1x80x128xi32, #tpu.memory_space<hbm>>
    %dma_wait3A_25 = tpu.memref_squeeze %dma_wait3A_24 : memref<1x80x128xi32, #tpu.memory_space<hbm>> -> memref<80x128xi32, #tpu.memory_space<hbm>>
    %dma_wait3A_26 = arith.constant 0 : i32
    %dma_wait3A_27 = arith.constant 0 : i32
    %dma_wait3A_28 = tpu.memref_slice %dma_wait3A_25[%dma_wait3A_26, %dma_wait3A_27] : memref<80x128xi32, #tpu.memory_space<hbm>> -> memref<40x128xi32, #tpu.memory_space<hbm>>
    tpu.wait_dma2 semaphore(%arg12 : memref<!tpu.dma_semaphore, #tpu.memory_space<semaphore_mem>>) src(%dma_wait3A_28 : memref<40x128xi32, #tpu.memory_space<hbm>>) dst(%arg7 : memref<40x128xi32, #tpu.memory_space<vmem>>)
    %dma_start3A_29 = arith.constant 0 : i32
    %dma_start3A_30 = arith.constant 0 : i32
    %dma_start3A_31 = tpu.memref_slice %arg4[%add3A, %dma_start3A_29, %dma_start3A_30] : memref<32x80x128xi32, #tpu.memory_space<hbm>> -> memref<1x80x128xi32, #tpu.memory_space<hbm>>
    %dma_start3A_32 = tpu.memref_squeeze %dma_start3A_31 : memref<1x80x128xi32, #tpu.memory_space<hbm>> -> memref<80x128xi32, #tpu.memory_space<hbm>>
    %dma_start3A_33 = arith.constant 0 : i32
    %dma_start3A_34 = arith.constant 0 : i32
    %dma_start3A_35 = tpu.memref_slice %dma_start3A_32[%dma_start3A_33, %dma_start3A_34] : memref<80x128xi32, #tpu.memory_space<hbm>> -> memref<40x128xi32, #tpu.memory_space<hbm>>
    %dma_start3A_36 = arith.constant 0 : i32
    %dma_start3A_37 = arith.constant 0 : i32
    %dma_start3A_38 = tpu.memref_slice %arg4[%add3A, %dma_start3A_36, %dma_start3A_37] : memref<32x80x128xi32, #tpu.memory_space<hbm>> -> memref<1x80x128xi32, #tpu.memory_space<hbm>>
    %dma_start3A_39 = tpu.memref_squeeze %dma_start3A_38 : memref<1x80x128xi32, #tpu.memory_space<hbm>> -> memref<80x128xi32, #tpu.memory_space<hbm>>
    %dma_start3A_40 = arith.constant 0 : i32
    %dma_start3A_41 = arith.constant 0 : i32
    %dma_start3A_42 = tpu.memref_slice %dma_start3A_39[%dma_start3A_40, %dma_start3A_41] : memref<80x128xi32, #tpu.memory_space<hbm>> -> memref<40x128xi32, #tpu.memory_space<hbm>>
    tpu.enqueue_dma source(%dma_start3A_42 : memref<40x128xi32, #tpu.memory_space<hbm>>) target(%arg8 : memref<40x128xi32, #tpu.memory_space<vmem>>) target_semaphore(%arg12 : memref<!tpu.dma_semaphore, #tpu.memory_space<semaphore_mem>>)
    %dma_wait3A_43 = arith.constant 0 : i32
    %dma_wait3A_44 = arith.constant 0 : i32
    %dma_wait3A_45 = tpu.memref_slice %arg4[%add3A, %dma_wait3A_43, %dma_wait3A_44] : memref<32x80x128xi32, #tpu.memory_space<hbm>> -> memref<1x80x128xi32, #tpu.memory_space<hbm>>
    %dma_wait3A_46 = tpu.memref_squeeze %dma_wait3A_45 : memref<1x80x128xi32, #tpu.memory_space<hbm>> -> memref<80x128xi32, #tpu.memory_space<hbm>>
    %dma_wait3A_47 = arith.constant 0 : i32
    %dma_wait3A_48 = arith.constant 0 : i32
    %dma_wait3A_49 = tpu.memref_slice %dma_wait3A_46[%dma_wait3A_47, %dma_wait3A_48] : memref<80x128xi32, #tpu.memory_space<hbm>> -> memref<40x128xi32, #tpu.memory_space<hbm>>
    %dma_wait3A_50 = arith.constant 0 : i32
    %dma_wait3A_51 = arith.constant 0 : i32
    %dma_wait3A_52 = tpu.memref_slice %arg4[%add3A, %dma_wait3A_50, %dma_wait3A_51] : memref<32x80x128xi32, #tpu.memory_space<hbm>> -> memref<1x80x128xi32, #tpu.memory_space<hbm>>
    %dma_wait3A_53 = tpu.memref_squeeze %dma_wait3A_52 : memref<1x80x128xi32, #tpu.memory_space<hbm>> -> memref<80x128xi32, #tpu.memory_space<hbm>>
    %dma_wait3A_54 = arith.constant 0 : i32
    %dma_wait3A_55 = arith.constant 0 : i32
    %dma_wait3A_56 = tpu.memref_slice %dma_wait3A_53[%dma_wait3A_54, %dma_wait3A_55] : memref<80x128xi32, #tpu.memory_space<hbm>> -> memref<40x128xi32, #tpu.memory_space<hbm>>
    tpu.wait_dma2 semaphore(%arg12 : memref<!tpu.dma_semaphore, #tpu.memory_space<semaphore_mem>>) src(%dma_wait3A_56 : memref<40x128xi32, #tpu.memory_space<hbm>>) dst(%arg8 : memref<40x128xi32, #tpu.memory_space<vmem>>)
    %dma_start3A_57 = arith.constant 0 : i32
    %dma_start3A_58 = arith.constant 0 : i32
    %dma_start3A_59 = arith.constant 0 : i32
    %dma_start3A_60 = tpu.memref_slice %arg9[%dma_start3A_58, %dma_start3A_59] : memref<128x128xf32, #tpu.memory_space<vmem>> -> memref<64x128xf32, #tpu.memory_space<vmem>>
    %dma_start3A_61 = arith.constant 0 : i32
    %dma_start3A_62 = tpu.memref_slice %arg7[%dma_start3A_57, %dma_start3A_61] : memref<40x128xi32, #tpu.memory_space<vmem>> -> memref<1x128xi32, #tpu.memory_space<vmem>>
    %dma_start3A_63 = tpu.memref_squeeze %dma_start3A_62 : memref<1x128xi32, #tpu.memory_space<vmem>> -> memref<128xi32, #tpu.memory_space<vmem>>
    %dma_start3A_64 = arith.constant 0 : i32
    %dma_start3A_65 = tpu.memref_slice %dma_start3A_63[%dma_start3A_64] : memref<128xi32, #tpu.memory_space<vmem>> -> memref<64xi32, #tpu.memory_space<vmem>>
    %dma_start3A_66 = arith.constant 0 : i32
    %dma_start3A_67 = arith.constant 0 : i32
    %dma_start3A_68 = tpu.memref_slice %arg2[%dma_start3A_66, %dma_start3A_67] : memref<10000x128xf32, #tpu.memory_space<hbm>> -> memref<10000x128xf32, #tpu.memory_space<hbm>>
    tpu.enqueue_indirect_dma source(%dma_start3A_68 : memref<10000x128xf32, #tpu.memory_space<hbm>>) target(%dma_start3A_60 : memref<64x128xf32, #tpu.memory_space<vmem>>) offsets(%dma_start3A_65 : memref<64xi32, #tpu.memory_space<vmem>>) semaphore(%arg13 : memref<!tpu.dma_semaphore, #tpu.memory_space<semaphore_mem>>)
    %dma_start3A_69 = arith.constant 0 : i32
    %dma_start3A_70 = arith.constant 64 : i32
    %dma_start3A_71 = arith.constant 0 : i32
    %dma_start3A_72 = tpu.memref_slice %arg9[%dma_start3A_70, %dma_start3A_71] : memref<128x128xf32, #tpu.memory_space<vmem>> -> memref<64x128xf32, #tpu.memory_space<vmem>>
    %dma_start3A_73 = arith.constant 0 : i32
    %dma_start3A_74 = tpu.memref_slice %arg7[%dma_start3A_69, %dma_start3A_73] : memref<40x128xi32, #tpu.memory_space<vmem>> -> memref<1x128xi32, #tpu.memory_space<vmem>>
    %dma_start3A_75 = tpu.memref_squeeze %dma_start3A_74 : memref<1x128xi32, #tpu.memory_space<vmem>> -> memref<128xi32, #tpu.memory_space<vmem>>
    %dma_start3A_76 = arith.constant 64 : i32
    %dma_start3A_77 = tpu.memref_slice %dma_start3A_75[%dma_start3A_76] : memref<128xi32, #tpu.memory_space<vmem>> -> memref<64xi32, #tpu.memory_space<vmem>>
    %dma_start3A_78 = arith.constant 0 : i32
    %dma_start3A_79 = arith.constant 0 : i32
    %dma_start3A_80 = tpu.memref_slice %arg2[%dma_start3A_78, %dma_start3A_79] : memref<10000x128xf32, #tpu.memory_space<hbm>> -> memref<10000x128xf32, #tpu.memory_space<hbm>>
    tpu.enqueue_indirect_dma source(%dma_start3A_80 : memref<10000x128xf32, #tpu.memory_space<hbm>>) target(%dma_start3A_72 : memref<64x128xf32, #tpu.memory_space<vmem>>) offsets(%dma_start3A_77 : memref<64xi32, #tpu.memory_space<vmem>>) semaphore(%arg13 : memref<!tpu.dma_semaphore, #tpu.memory_space<semaphore_mem>>)
    %scan3A = arith.constant 0 : i32
    %scan3A_81 = arith.constant 20 : i32
    %scan3A_82 = arith.addi %scan3A, %scan3A_81 : i32
    %scan3A_83 = arith.constant 1 : i32
    scf.for %scan3A_185 = %scan3A to %scan3A_82 step %scan3A_83  : i32 {
      %mul3A_186 = arith.constant 1 : i32
      %mul3A_187 = arith.muli %scan3A_185, %mul3A_186 : i32
      %add3A_188 = arith.constant 0 : i32
      %add3A_189 = arith.addi %add3A_188, %mul3A_187 : i32
      %mul3A_190 = arith.constant 2 : i32
      %mul3A_191 = arith.muli %mul3A_190, %add3A_189 : i32
      %dma_wait3A_192 = arith.constant 0 : i32
      %dma_wait3A_193 = arith.constant 0 : i32
      %dma_wait3A_194 = tpu.memref_slice %arg7[%dma_wait3A_192, %dma_wait3A_193] : memref<40x128xi32, #tpu.memory_space<vmem>> -> memref<1x128xi32, #tpu.memory_space<vmem>>
      %dma_wait3A_195 = tpu.memref_squeeze %dma_wait3A_194 : memref<1x128xi32, #tpu.memory_space<vmem>> -> memref<128xi32, #tpu.memory_space<vmem>>
      %dma_wait3A_196 = arith.constant 0 : i32
      %dma_wait3A_197 = arith.constant 0 : i32
      %dma_wait3A_198 = tpu.memref_slice %arg2[%dma_wait3A_196, %dma_wait3A_197] : memref<10000x128xf32, #tpu.memory_space<hbm>> -> memref<10000x128xf32, #tpu.memory_space<hbm>>
      tpu.wait_indirect_dma semaphore(%arg13 : memref<!tpu.dma_semaphore, #tpu.memory_space<semaphore_mem>>) src(%dma_wait3A_198 : memref<10000x128xf32, #tpu.memory_space<hbm>>) dst(%arg9 : memref<128x128xf32, #tpu.memory_space<vmem>>)
      %add3A_199 = arith.constant 1 : i32
      %add3A_200 = arith.addi %mul3A_191, %add3A_199 : i32
      %dma_start3A_201 = arith.constant 0 : i32
      %dma_start3A_202 = arith.constant 0 : i32
      %dma_start3A_203 = tpu.memref_slice %arg10[%dma_start3A_201, %dma_start3A_202] : memref<128x128xf32, #tpu.memory_space<vmem>> -> memref<64x128xf32, #tpu.memory_space<vmem>>
      %dma_start3A_204 = arith.constant 0 : i32
      %dma_start3A_205 = tpu.memref_slice %arg7[%add3A_200, %dma_start3A_204] : memref<40x128xi32, #tpu.memory_space<vmem>> -> memref<1x128xi32, #tpu.memory_space<vmem>>
      %dma_start3A_206 = tpu.memref_squeeze %dma_start3A_205 : memref<1x128xi32, #tpu.memory_space<vmem>> -> memref<128xi32, #tpu.memory_space<vmem>>
      %dma_start3A_207 = arith.constant 0 : i32
      %dma_start3A_208 = tpu.memref_slice %dma_start3A_206[%dma_start3A_207] : memref<128xi32, #tpu.memory_space<vmem>> -> memref<64xi32, #tpu.memory_space<vmem>>
      %dma_start3A_209 = arith.constant 0 : i32
      %dma_start3A_210 = arith.constant 0 : i32
      %dma_start3A_211 = tpu.memref_slice %arg2[%dma_start3A_209, %dma_start3A_210] : memref<10000x128xf32, #tpu.memory_space<hbm>> -> memref<10000x128xf32, #tpu.memory_space<hbm>>
      tpu.enqueue_indirect_dma source(%dma_start3A_211 : memref<10000x128xf32, #tpu.memory_space<hbm>>) target(%dma_start3A_203 : memref<64x128xf32, #tpu.memory_space<vmem>>) offsets(%dma_start3A_208 : memref<64xi32, #tpu.memory_space<vmem>>) semaphore(%arg14 : memref<!tpu.dma_semaphore, #tpu.memory_space<semaphore_mem>>)
      %dma_start3A_212 = arith.constant 64 : i32
      %dma_start3A_213 = arith.constant 0 : i32
      %dma_start3A_214 = tpu.memref_slice %arg10[%dma_start3A_212, %dma_start3A_213] : memref<128x128xf32, #tpu.memory_space<vmem>> -> memref<64x128xf32, #tpu.memory_space<vmem>>
      %dma_start3A_215 = arith.constant 0 : i32
      %dma_start3A_216 = tpu.memref_slice %arg7[%add3A_200, %dma_start3A_215] : memref<40x128xi32, #tpu.memory_space<vmem>> -> memref<1x128xi32, #tpu.memory_space<vmem>>
      %dma_start3A_217 = tpu.memref_squeeze %dma_start3A_216 : memref<1x128xi32, #tpu.memory_space<vmem>> -> memref<128xi32, #tpu.memory_space<vmem>>
      %dma_start3A_218 = arith.constant 64 : i32
      %dma_start3A_219 = tpu.memref_slice %dma_start3A_217[%dma_start3A_218] : memref<128xi32, #tpu.memory_space<vmem>> -> memref<64xi32, #tpu.memory_space<vmem>>
      %dma_start3A_220 = arith.constant 0 : i32
      %dma_start3A_221 = arith.constant 0 : i32
      %dma_start3A_222 = tpu.memref_slice %arg2[%dma_start3A_220, %dma_start3A_221] : memref<10000x128xf32, #tpu.memory_space<hbm>> -> memref<10000x128xf32, #tpu.memory_space<hbm>>
      tpu.enqueue_indirect_dma source(%dma_start3A_222 : memref<10000x128xf32, #tpu.memory_space<hbm>>) target(%dma_start3A_214 : memref<64x128xf32, #tpu.memory_space<vmem>>) offsets(%dma_start3A_219 : memref<64xi32, #tpu.memory_space<vmem>>) semaphore(%arg14 : memref<!tpu.dma_semaphore, #tpu.memory_space<semaphore_mem>>)
      "tpu.region"() ({
        %run_scoped3A = tpu.sem_alloc : memref<!tpu.dma_semaphore, #tpu.memory_space<semaphore_mem>>
        %dma_start3A_259 = arith.constant 0 : i32
        %dma_start3A_260 = tpu.memref_slice %arg8[%mul3A_191, %dma_start3A_259] : memref<40x128xi32, #tpu.memory_space<vmem>> -> memref<1x128xi32, #tpu.memory_space<vmem>>
        %dma_start3A_261 = tpu.memref_squeeze %dma_start3A_260 : memref<1x128xi32, #tpu.memory_space<vmem>> -> memref<128xi32, #tpu.memory_space<vmem>>
        %dma_start3A_262 = arith.constant 0 : i32
        %dma_start3A_263 = arith.constant 0 : i32
        %dma_start3A_264 = tpu.memref_slice %arg11[%dma_start3A_262, %dma_start3A_263] : memref<10240x128xf32, #tpu.memory_space<vmem_shared>> -> memref<10240x128xf32, #tpu.memory_space<vmem_shared>>
        tpu.enqueue_indirect_dma source(%arg9 : memref<128x128xf32, #tpu.memory_space<vmem>>) target(%dma_start3A_264 : memref<10240x128xf32, #tpu.memory_space<vmem_shared>>) offsets(%dma_start3A_261 : memref<128xi32, #tpu.memory_space<vmem>>) semaphore(%run_scoped3A : memref<!tpu.dma_semaphore, #tpu.memory_space<semaphore_mem>>) {add = true}
        %dma_wait3A_265 = arith.constant 0 : i32
        %dma_wait3A_266 = tpu.memref_slice %arg8[%mul3A_191, %dma_wait3A_265] : memref<40x128xi32, #tpu.memory_space<vmem>> -> memref<1x128xi32, #tpu.memory_space<vmem>>
        %dma_wait3A_267 = tpu.memref_squeeze %dma_wait3A_266 : memref<1x128xi32, #tpu.memory_space<vmem>> -> memref<128xi32, #tpu.memory_space<vmem>>
        %dma_wait3A_268 = arith.constant 0 : i32
        %dma_wait3A_269 = arith.constant 0 : i32
        %dma_wait3A_270 = tpu.memref_slice %arg11[%dma_wait3A_268, %dma_wait3A_269] : memref<10240x128xf32, #tpu.memory_space<vmem_shared>> -> memref<10240x128xf32, #tpu.memory_space<vmem_shared>>
        tpu.wait_indirect_dma semaphore(%run_scoped3A : memref<!tpu.dma_semaphore, #tpu.memory_space<semaphore_mem>>) src(%arg9 : memref<128x128xf32, #tpu.memory_space<vmem>>) dst(%dma_wait3A_270 : memref<10240x128xf32, #tpu.memory_space<vmem_shared>>)
        tpu.yield
      }) : () -> ()
      %dma_wait3A_223 = arith.constant 0 : i32
      %dma_wait3A_224 = arith.constant 0 : i32
      %dma_wait3A_225 = tpu.memref_slice %arg7[%dma_wait3A_223, %dma_wait3A_224] : memref<40x128xi32, #tpu.memory_space<vmem>> -> memref<1x128xi32, #tpu.memory_space<vmem>>
      %dma_wait3A_226 = tpu.memref_squeeze %dma_wait3A_225 : memref<1x128xi32, #tpu.memory_space<vmem>> -> memref<128xi32, #tpu.memory_space<vmem>>
      %dma_wait3A_227 = arith.constant 0 : i32
      %dma_wait3A_228 = arith.constant 0 : i32
      %dma_wait3A_229 = tpu.memref_slice %arg2[%dma_wait3A_227, %dma_wait3A_228] : memref<10000x128xf32, #tpu.memory_space<hbm>> -> memref<10000x128xf32, #tpu.memory_space<hbm>>
      tpu.wait_indirect_dma semaphore(%arg14 : memref<!tpu.dma_semaphore, #tpu.memory_space<semaphore_mem>>) src(%dma_wait3A_229 : memref<10000x128xf32, #tpu.memory_space<hbm>>) dst(%arg10 : memref<128x128xf32, #tpu.memory_space<vmem>>)
      %add3A_230 = arith.constant 2 : i32
      %add3A_231 = arith.addi %mul3A_191, %add3A_230 : i32
      %lt3A = arith.constant 40 : i32
      %lt3A_232 = arith.cmpi slt, %add3A_231, %lt3A : i32
      %add3A_233 = arith.constant 2 : i32
      %add3A_234 = arith.addi %mul3A_191, %add3A_233 : i32
      %jit3A = arith.constant 0 : i32
      %select_n3A = arith.select %lt3A_232, %add3A_234, %jit3A : i32
      %dma_start3A_235 = arith.constant 0 : i32
      %dma_start3A_236 = arith.constant 0 : i32
      %dma_start3A_237 = tpu.memref_slice %arg9[%dma_start3A_235, %dma_start3A_236] : memref<128x128xf32, #tpu.memory_space<vmem>> -> memref<64x128xf32, #tpu.memory_space<vmem>>
      %dma_start3A_238 = arith.constant 0 : i32
      %dma_start3A_239 = tpu.memref_slice %arg7[%select_n3A, %dma_start3A_238] : memref<40x128xi32, #tpu.memory_space<vmem>> -> memref<1x128xi32, #tpu.memory_space<vmem>>
      %dma_start3A_240 = tpu.memref_squeeze %dma_start3A_239 : memref<1x128xi32, #tpu.memory_space<vmem>> -> memref<128xi32, #tpu.memory_space<vmem>>
      %dma_start3A_241 = arith.constant 0 : i32
      %dma_start3A_242 = tpu.memref_slice %dma_start3A_240[%dma_start3A_241] : memref<128xi32, #tpu.memory_space<vmem>> -> memref<64xi32, #tpu.memory_space<vmem>>
      %dma_start3A_243 = arith.constant 0 : i32
      %dma_start3A_244 = arith.constant 0 : i32
      %dma_start3A_245 = tpu.memref_slice %arg2[%dma_start3A_243, %dma_start3A_244] : memref<10000x128xf32, #tpu.memory_space<hbm>> -> memref<10000x128xf32, #tpu.memory_space<hbm>>
      tpu.enqueue_indirect_dma source(%dma_start3A_245 : memref<10000x128xf32, #tpu.memory_space<hbm>>) target(%dma_start3A_237 : memref<64x128xf32, #tpu.memory_space<vmem>>) offsets(%dma_start3A_242 : memref<64xi32, #tpu.memory_space<vmem>>) semaphore(%arg13 : memref<!tpu.dma_semaphore, #tpu.memory_space<semaphore_mem>>)
      %dma_start3A_246 = arith.constant 64 : i32
      %dma_start3A_247 = arith.constant 0 : i32
      %dma_start3A_248 = tpu.memref_slice %arg9[%dma_start3A_246, %dma_start3A_247] : memref<128x128xf32, #tpu.memory_space<vmem>> -> memref<64x128xf32, #tpu.memory_space<vmem>>
      %dma_start3A_249 = arith.constant 0 : i32
      %dma_start3A_250 = tpu.memref_slice %arg7[%select_n3A, %dma_start3A_249] : memref<40x128xi32, #tpu.memory_space<vmem>> -> memref<1x128xi32, #tpu.memory_space<vmem>>
      %dma_start3A_251 = tpu.memref_squeeze %dma_start3A_250 : memref<1x128xi32, #tpu.memory_space<vmem>> -> memref<128xi32, #tpu.memory_space<vmem>>
      %dma_start3A_252 = arith.constant 64 : i32
      %dma_start3A_253 = tpu.memref_slice %dma_start3A_251[%dma_start3A_252] : memref<128xi32, #tpu.memory_space<vmem>> -> memref<64xi32, #tpu.memory_space<vmem>>
      %dma_start3A_254 = arith.constant 0 : i32
      %dma_start3A_255 = arith.constant 0 : i32
      %dma_start3A_256 = tpu.memref_slice %arg2[%dma_start3A_254, %dma_start3A_255] : memref<10000x128xf32, #tpu.memory_space<hbm>> -> memref<10000x128xf32, #tpu.memory_space<hbm>>
      tpu.enqueue_indirect_dma source(%dma_start3A_256 : memref<10000x128xf32, #tpu.memory_space<hbm>>) target(%dma_start3A_248 : memref<64x128xf32, #tpu.memory_space<vmem>>) offsets(%dma_start3A_253 : memref<64xi32, #tpu.memory_space<vmem>>) semaphore(%arg13 : memref<!tpu.dma_semaphore, #tpu.memory_space<semaphore_mem>>)
      %add3A_257 = arith.constant 1 : i32
      %add3A_258 = arith.addi %mul3A_191, %add3A_257 : i32
      "tpu.region"() ({
        %run_scoped3A = tpu.sem_alloc : memref<!tpu.dma_semaphore, #tpu.memory_space<semaphore_mem>>
        %dma_start3A_259 = arith.constant 0 : i32
        %dma_start3A_260 = tpu.memref_slice %arg8[%add3A_258, %dma_start3A_259] : memref<40x128xi32, #tpu.memory_space<vmem>> -> memref<1x128xi32, #tpu.memory_space<vmem>>
        %dma_start3A_261 = tpu.memref_squeeze %dma_start3A_260 : memref<1x128xi32, #tpu.memory_space<vmem>> -> memref<128xi32, #tpu.memory_space<vmem>>
        %dma_start3A_262 = arith.constant 0 : i32
        %dma_start3A_263 = arith.constant 0 : i32
        %dma_start3A_264 = tpu.memref_slice %arg11[%dma_start3A_262, %dma_start3A_263] : memref<10240x128xf32, #tpu.memory_space<vmem_shared>> -> memref<10240x128xf32, #tpu.memory_space<vmem_shared>>
        tpu.enqueue_indirect_dma source(%arg10 : memref<128x128xf32, #tpu.memory_space<vmem>>) target(%dma_start3A_264 : memref<10240x128xf32, #tpu.memory_space<vmem_shared>>) offsets(%dma_start3A_261 : memref<128xi32, #tpu.memory_space<vmem>>) semaphore(%run_scoped3A : memref<!tpu.dma_semaphore, #tpu.memory_space<semaphore_mem>>) {add = true}
        %dma_wait3A_265 = arith.constant 0 : i32
        %dma_wait3A_266 = tpu.memref_slice %arg8[%add3A_258, %dma_wait3A_265] : memref<40x128xi32, #tpu.memory_space<vmem>> -> memref<1x128xi32, #tpu.memory_space<vmem>>
        %dma_wait3A_267 = tpu.memref_squeeze %dma_wait3A_266 : memref<1x128xi32, #tpu.memory_space<vmem>> -> memref<128xi32, #tpu.memory_space<vmem>>
        %dma_wait3A_268 = arith.constant 0 : i32
        %dma_wait3A_269 = arith.constant 0 : i32
        %dma_wait3A_270 = tpu.memref_slice %arg11[%dma_wait3A_268, %dma_wait3A_269] : memref<10240x128xf32, #tpu.memory_space<vmem_shared>> -> memref<10240x128xf32, #tpu.memory_space<vmem_shared>>
        tpu.wait_indirect_dma semaphore(%run_scoped3A : memref<!tpu.dma_semaphore, #tpu.memory_space<semaphore_mem>>) src(%arg10 : memref<128x128xf32, #tpu.memory_space<vmem>>) dst(%dma_wait3A_270 : memref<10240x128xf32, #tpu.memory_space<vmem_shared>>)
        tpu.yield
      }) : () -> ()
    }
    %scan3A_84 = arith.constant 20 : i32
    %dma_wait3A_85 = arith.constant 0 : i32
    %dma_wait3A_86 = arith.constant 0 : i32
    %dma_wait3A_87 = tpu.memref_slice %arg7[%dma_wait3A_85, %dma_wait3A_86] : memref<40x128xi32, #tpu.memory_space<vmem>> -> memref<1x128xi32, #tpu.memory_space<vmem>>
    %dma_wait3A_88 = tpu.memref_squeeze %dma_wait3A_87 : memref<1x128xi32, #tpu.memory_space<vmem>> -> memref<128xi32, #tpu.memory_space<vmem>>
    %dma_wait3A_89 = arith.constant 0 : i32
    %dma_wait3A_90 = arith.constant 0 : i32
    %dma_wait3A_91 = tpu.memref_slice %arg2[%dma_wait3A_89, %dma_wait3A_90] : memref<10000x128xf32, #tpu.memory_space<hbm>> -> memref<10000x128xf32, #tpu.memory_space<hbm>>
    tpu.wait_indirect_dma semaphore(%arg13 : memref<!tpu.dma_semaphore, #tpu.memory_space<semaphore_mem>>) src(%dma_wait3A_91 : memref<10000x128xf32, #tpu.memory_space<hbm>>) dst(%arg9 : memref<128x128xf32, #tpu.memory_space<vmem>>)
    %dma_start3A_92 = arith.constant 0 : i32
    %dma_start3A_93 = arith.constant 0 : i32
    %dma_start3A_94 = tpu.memref_slice %arg3[%add3A, %dma_start3A_92, %dma_start3A_93] : memref<32x80x128xi32, #tpu.memory_space<hbm>> -> memref<1x80x128xi32, #tpu.memory_space<hbm>>
    %dma_start3A_95 = tpu.memref_squeeze %dma_start3A_94 : memref<1x80x128xi32, #tpu.memory_space<hbm>> -> memref<80x128xi32, #tpu.memory_space<hbm>>
    %dma_start3A_96 = arith.constant 40 : i32
    %dma_start3A_97 = arith.constant 0 : i32
    %dma_start3A_98 = tpu.memref_slice %dma_start3A_95[%dma_start3A_96, %dma_start3A_97] : memref<80x128xi32, #tpu.memory_space<hbm>> -> memref<40x128xi32, #tpu.memory_space<hbm>>
    %dma_start3A_99 = arith.constant 0 : i32
    %dma_start3A_100 = arith.constant 0 : i32
    %dma_start3A_101 = tpu.memref_slice %arg3[%add3A, %dma_start3A_99, %dma_start3A_100] : memref<32x80x128xi32, #tpu.memory_space<hbm>> -> memref<1x80x128xi32, #tpu.memory_space<hbm>>
    %dma_start3A_102 = tpu.memref_squeeze %dma_start3A_101 : memref<1x80x128xi32, #tpu.memory_space<hbm>> -> memref<80x128xi32, #tpu.memory_space<hbm>>
    %dma_start3A_103 = arith.constant 40 : i32
    %dma_start3A_104 = arith.constant 0 : i32
    %dma_start3A_105 = tpu.memref_slice %dma_start3A_102[%dma_start3A_103, %dma_start3A_104] : memref<80x128xi32, #tpu.memory_space<hbm>> -> memref<40x128xi32, #tpu.memory_space<hbm>>
    tpu.enqueue_dma source(%dma_start3A_105 : memref<40x128xi32, #tpu.memory_space<hbm>>) target(%arg7 : memref<40x128xi32, #tpu.memory_space<vmem>>) target_semaphore(%arg12 : memref<!tpu.dma_semaphore, #tpu.memory_space<semaphore_mem>>)
    %dma_wait3A_106 = arith.constant 0 : i32
    %dma_wait3A_107 = arith.constant 0 : i32
    %dma_wait3A_108 = tpu.memref_slice %arg3[%add3A, %dma_wait3A_106, %dma_wait3A_107] : memref<32x80x128xi32, #tpu.memory_space<hbm>> -> memref<1x80x128xi32, #tpu.memory_space<hbm>>
    %dma_wait3A_109 = tpu.memref_squeeze %dma_wait3A_108 : memref<1x80x128xi32, #tpu.memory_space<hbm>> -> memref<80x128xi32, #tpu.memory_space<hbm>>
    %dma_wait3A_110 = arith.constant 40 : i32
    %dma_wait3A_111 = arith.constant 0 : i32
    %dma_wait3A_112 = tpu.memref_slice %dma_wait3A_109[%dma_wait3A_110, %dma_wait3A_111] : memref<80x128xi32, #tpu.memory_space<hbm>> -> memref<40x128xi32, #tpu.memory_space<hbm>>
    %dma_wait3A_113 = arith.constant 0 : i32
    %dma_wait3A_114 = arith.constant 0 : i32
    %dma_wait3A_115 = tpu.memref_slice %arg3[%add3A, %dma_wait3A_113, %dma_wait3A_114] : memref<32x80x128xi32, #tpu.memory_space<hbm>> -> memref<1x80x128xi32, #tpu.memory_space<hbm>>
    %dma_wait3A_116 = tpu.memref_squeeze %dma_wait3A_115 : memref<1x80x128xi32, #tpu.memory_space<hbm>> -> memref<80x128xi32, #tpu.memory_space<hbm>>
    %dma_wait3A_117 = arith.constant 40 : i32
    %dma_wait3A_118 = arith.constant 0 : i32
    %dma_wait3A_119 = tpu.memref_slice %dma_wait3A_116[%dma_wait3A_117, %dma_wait3A_118] : memref<80x128xi32, #tpu.memory_space<hbm>> -> memref<40x128xi32, #tpu.memory_space<hbm>>
    tpu.wait_dma2 semaphore(%arg12 : memref<!tpu.dma_semaphore, #tpu.memory_space<semaphore_mem>>) src(%dma_wait3A_119 : memref<40x128xi32, #tpu.memory_space<hbm>>) dst(%arg7 : memref<40x128xi32, #tpu.memory_space<vmem>>)
    %dma_start3A_120 = arith.constant 0 : i32
    %dma_start3A_121 = arith.constant 0 : i32
    %dma_start3A_122 = tpu.memref_slice %arg4[%add3A, %dma_start3A_120, %dma_start3A_121] : memref<32x80x128xi32, #tpu.memory_space<hbm>> -> memref<1x80x128xi32, #tpu.memory_space<hbm>>
    %dma_start3A_123 = tpu.memref_squeeze %dma_start3A_122 : memref<1x80x128xi32, #tpu.memory_space<hbm>> -> memref<80x128xi32, #tpu.memory_space<hbm>>
    %dma_start3A_124 = arith.constant 40 : i32
    %dma_start3A_125 = arith.constant 0 : i32
    %dma_start3A_126 = tpu.memref_slice %dma_start3A_123[%dma_start3A_124, %dma_start3A_125] : memref<80x128xi32, #tpu.memory_space<hbm>> -> memref<40x128xi32, #tpu.memory_space<hbm>>
    %dma_start3A_127 = arith.constant 0 : i32
    %dma_start3A_128 = arith.constant 0 : i32
    %dma_start3A_129 = tpu.memref_slice %arg4[%add3A, %dma_start3A_127, %dma_start3A_128] : memref<32x80x128xi32, #tpu.memory_space<hbm>> -> memref<1x80x128xi32, #tpu.memory_space<hbm>>
    %dma_start3A_130 = tpu.memref_squeeze %dma_start3A_129 : memref<1x80x128xi32, #tpu.memory_space<hbm>> -> memref<80x128xi32, #tpu.memory_space<hbm>>
    %dma_start3A_131 = arith.constant 40 : i32
    %dma_start3A_132 = arith.constant 0 : i32
    %dma_start3A_133 = tpu.memref_slice %dma_start3A_130[%dma_start3A_131, %dma_start3A_132] : memref<80x128xi32, #tpu.memory_space<hbm>> -> memref<40x128xi32, #tpu.memory_space<hbm>>
    tpu.enqueue_dma source(%dma_start3A_133 : memref<40x128xi32, #tpu.memory_space<hbm>>) target(%arg8 : memref<40x128xi32, #tpu.memory_space<vmem>>) target_semaphore(%arg12 : memref<!tpu.dma_semaphore, #tpu.memory_space<semaphore_mem>>)
    %dma_wait3A_134 = arith.constant 0 : i32
    %dma_wait3A_135 = arith.constant 0 : i32
    %dma_wait3A_136 = tpu.memref_slice %arg4[%add3A, %dma_wait3A_134, %dma_wait3A_135] : memref<32x80x128xi32, #tpu.memory_space<hbm>> -> memref<1x80x128xi32, #tpu.memory_space<hbm>>
    %dma_wait3A_137 = tpu.memref_squeeze %dma_wait3A_136 : memref<1x80x128xi32, #tpu.memory_space<hbm>> -> memref<80x128xi32, #tpu.memory_space<hbm>>
    %dma_wait3A_138 = arith.constant 40 : i32
    %dma_wait3A_139 = arith.constant 0 : i32
    %dma_wait3A_140 = tpu.memref_slice %dma_wait3A_137[%dma_wait3A_138, %dma_wait3A_139] : memref<80x128xi32, #tpu.memory_space<hbm>> -> memref<40x128xi32, #tpu.memory_space<hbm>>
    %dma_wait3A_141 = arith.constant 0 : i32
    %dma_wait3A_142 = arith.constant 0 : i32
    %dma_wait3A_143 = tpu.memref_slice %arg4[%add3A, %dma_wait3A_141, %dma_wait3A_142] : memref<32x80x128xi32, #tpu.memory_space<hbm>> -> memref<1x80x128xi32, #tpu.memory_space<hbm>>
    %dma_wait3A_144 = tpu.memref_squeeze %dma_wait3A_143 : memref<1x80x128xi32, #tpu.memory_space<hbm>> -> memref<80x128xi32, #tpu.memory_space<hbm>>
    %dma_wait3A_145 = arith.constant 40 : i32
    %dma_wait3A_146 = arith.constant 0 : i32
    %dma_wait3A_147 = tpu.memref_slice %dma_wait3A_144[%dma_wait3A_145, %dma_wait3A_146] : memref<80x128xi32, #tpu.memory_space<hbm>> -> memref<40x128xi32, #tpu.memory_space<hbm>>
    tpu.wait_dma2 semaphore(%arg12 : memref<!tpu.dma_semaphore, #tpu.memory_space<semaphore_mem>>) src(%dma_wait3A_147 : memref<40x128xi32, #tpu.memory_space<hbm>>) dst(%arg8 : memref<40x128xi32, #tpu.memory_space<vmem>>)
    %dma_start3A_148 = arith.constant 0 : i32
    %dma_start3A_149 = arith.constant 0 : i32
    %dma_start3A_150 = arith.constant 0 : i32
    %dma_start3A_151 = tpu.memref_slice %arg9[%dma_start3A_149, %dma_start3A_150] : memref<128x128xf32, #tpu.memory_space<vmem>> -> memref<64x128xf32, #tpu.memory_space<vmem>>
    %dma_start3A_152 = arith.constant 0 : i32
    %dma_start3A_153 = tpu.memref_slice %arg7[%dma_start3A_148, %dma_start3A_152] : memref<40x128xi32, #tpu.memory_space<vmem>> -> memref<1x128xi32, #tpu.memory_space<vmem>>
    %dma_start3A_154 = tpu.memref_squeeze %dma_start3A_153 : memref<1x128xi32, #tpu.memory_space<vmem>> -> memref<128xi32, #tpu.memory_space<vmem>>
    %dma_start3A_155 = arith.constant 0 : i32
    %dma_start3A_156 = tpu.memref_slice %dma_start3A_154[%dma_start3A_155] : memref<128xi32, #tpu.memory_space<vmem>> -> memref<64xi32, #tpu.memory_space<vmem>>
    %dma_start3A_157 = arith.constant 0 : i32
    %dma_start3A_158 = arith.constant 0 : i32
    %dma_start3A_159 = tpu.memref_slice %arg2[%dma_start3A_157, %dma_start3A_158] : memref<10000x128xf32, #tpu.memory_space<hbm>> -> memref<10000x128xf32, #tpu.memory_space<hbm>>
    tpu.enqueue_indirect_dma source(%dma_start3A_159 : memref<10000x128xf32, #tpu.memory_space<hbm>>) target(%dma_start3A_151 : memref<64x128xf32, #tpu.memory_space<vmem>>) offsets(%dma_start3A_156 : memref<64xi32, #tpu.memory_space<vmem>>) semaphore(%arg13 : memref<!tpu.dma_semaphore, #tpu.memory_space<semaphore_mem>>)
    %dma_start3A_160 = arith.constant 0 : i32
    %dma_start3A_161 = arith.constant 64 : i32
    %dma_start3A_162 = arith.constant 0 : i32
    %dma_start3A_163 = tpu.memref_slice %arg9[%dma_start3A_161, %dma_start3A_162] : memref<128x128xf32, #tpu.memory_space<vmem>> -> memref<64x128xf32, #tpu.memory_space<vmem>>
    %dma_start3A_164 = arith.constant 0 : i32
    %dma_start3A_165 = tpu.memref_slice %arg7[%dma_start3A_160, %dma_start3A_164] : memref<40x128xi32, #tpu.memory_space<vmem>> -> memref<1x128xi32, #tpu.memory_space<vmem>>
    %dma_start3A_166 = tpu.memref_squeeze %dma_start3A_165 : memref<1x128xi32, #tpu.memory_space<vmem>> -> memref<128xi32, #tpu.memory_space<vmem>>
    %dma_start3A_167 = arith.constant 64 : i32
    %dma_start3A_168 = tpu.memref_slice %dma_start3A_166[%dma_start3A_167] : memref<128xi32, #tpu.memory_space<vmem>> -> memref<64xi32, #tpu.memory_space<vmem>>
    %dma_start3A_169 = arith.constant 0 : i32
    %dma_start3A_170 = arith.constant 0 : i32
    %dma_start3A_171 = tpu.memref_slice %arg2[%dma_start3A_169, %dma_start3A_170] : memref<10000x128xf32, #tpu.memory_space<hbm>> -> memref<10000x128xf32, #tpu.memory_space<hbm>>
    tpu.enqueue_indirect_dma source(%dma_start3A_171 : memref<10000x128xf32, #tpu.memory_space<hbm>>) target(%dma_start3A_163 : memref<64x128xf32, #tpu.memory_space<vmem>>) offsets(%dma_start3A_168 : memref<64xi32, #tpu.memory_space<vmem>>) semaphore(%arg13 : memref<!tpu.dma_semaphore, #tpu.memory_space<semaphore_mem>>)
    %scan3A_172 = arith.constant 0 : i32
    %scan3A_173 = arith.constant 20 : i32
    %scan3A_174 = arith.addi %scan3A_172, %scan3A_173 : i32
    %scan3A_175 = arith.constant 1 : i32
    scf.for %scan3A_185 = %scan3A_172 to %scan3A_174 step %scan3A_175  : i32 {
      %mul3A_186 = arith.constant 1 : i32
      %mul3A_187 = arith.muli %scan3A_185, %mul3A_186 : i32
      %add3A_188 = arith.constant 0 : i32
      %add3A_189 = arith.addi %add3A_188, %mul3A_187 : i32
      %mul3A_190 = arith.constant 2 : i32
      %mul3A_191 = arith.muli %mul3A_190, %add3A_189 : i32
      %dma_wait3A_192 = arith.constant 0 : i32
      %dma_wait3A_193 = arith.constant 0 : i32
      %dma_wait3A_194 = tpu.memref_slice %arg7[%dma_wait3A_192, %dma_wait3A_193] : memref<40x128xi32, #tpu.memory_space<vmem>> -> memref<1x128xi32, #tpu.memory_space<vmem>>
      %dma_wait3A_195 = tpu.memref_squeeze %dma_wait3A_194 : memref<1x128xi32, #tpu.memory_space<vmem>> -> memref<128xi32, #tpu.memory_space<vmem>>
      %dma_wait3A_196 = arith.constant 0 : i32
      %dma_wait3A_197 = arith.constant 0 : i32
      %dma_wait3A_198 = tpu.memref_slice %arg2[%dma_wait3A_196, %dma_wait3A_197] : memref<10000x128xf32, #tpu.memory_space<hbm>> -> memref<10000x128xf32, #tpu.memory_space<hbm>>
      tpu.wait_indirect_dma semaphore(%arg13 : memref<!tpu.dma_semaphore, #tpu.memory_space<semaphore_mem>>) src(%dma_wait3A_198 : memref<10000x128xf32, #tpu.memory_space<hbm>>) dst(%arg9 : memref<128x128xf32, #tpu.memory_space<vmem>>)
      %add3A_199 = arith.constant 1 : i32
      %add3A_200 = arith.addi %mul3A_191, %add3A_199 : i32
      %dma_start3A_201 = arith.constant 0 : i32
      %dma_start3A_202 = arith.constant 0 : i32
      %dma_start3A_203 = tpu.memref_slice %arg10[%dma_start3A_201, %dma_start3A_202] : memref<128x128xf32, #tpu.memory_space<vmem>> -> memref<64x128xf32, #tpu.memory_space<vmem>>
      %dma_start3A_204 = arith.constant 0 : i32
      %dma_start3A_205 = tpu.memref_slice %arg7[%add3A_200, %dma_start3A_204] : memref<40x128xi32, #tpu.memory_space<vmem>> -> memref<1x128xi32, #tpu.memory_space<vmem>>
      %dma_start3A_206 = tpu.memref_squeeze %dma_start3A_205 : memref<1x128xi32, #tpu.memory_space<vmem>> -> memref<128xi32, #tpu.memory_space<vmem>>
      %dma_start3A_207 = arith.constant 0 : i32
      %dma_start3A_208 = tpu.memref_slice %dma_start3A_206[%dma_start3A_207] : memref<128xi32, #tpu.memory_space<vmem>> -> memref<64xi32, #tpu.memory_space<vmem>>
      %dma_start3A_209 = arith.constant 0 : i32
      %dma_start3A_210 = arith.constant 0 : i32
      %dma_start3A_211 = tpu.memref_slice %arg2[%dma_start3A_209, %dma_start3A_210] : memref<10000x128xf32, #tpu.memory_space<hbm>> -> memref<10000x128xf32, #tpu.memory_space<hbm>>
      tpu.enqueue_indirect_dma source(%dma_start3A_211 : memref<10000x128xf32, #tpu.memory_space<hbm>>) target(%dma_start3A_203 : memref<64x128xf32, #tpu.memory_space<vmem>>) offsets(%dma_start3A_208 : memref<64xi32, #tpu.memory_space<vmem>>) semaphore(%arg14 : memref<!tpu.dma_semaphore, #tpu.memory_space<semaphore_mem>>)
      %dma_start3A_212 = arith.constant 64 : i32
      %dma_start3A_213 = arith.constant 0 : i32
      %dma_start3A_214 = tpu.memref_slice %arg10[%dma_start3A_212, %dma_start3A_213] : memref<128x128xf32, #tpu.memory_space<vmem>> -> memref<64x128xf32, #tpu.memory_space<vmem>>
      %dma_start3A_215 = arith.constant 0 : i32
      %dma_start3A_216 = tpu.memref_slice %arg7[%add3A_200, %dma_start3A_215] : memref<40x128xi32, #tpu.memory_space<vmem>> -> memref<1x128xi32, #tpu.memory_space<vmem>>
      %dma_start3A_217 = tpu.memref_squeeze %dma_start3A_216 : memref<1x128xi32, #tpu.memory_space<vmem>> -> memref<128xi32, #tpu.memory_space<vmem>>
      %dma_start3A_218 = arith.constant 64 : i32
      %dma_start3A_219 = tpu.memref_slice %dma_start3A_217[%dma_start3A_218] : memref<128xi32, #tpu.memory_space<vmem>> -> memref<64xi32, #tpu.memory_space<vmem>>
      %dma_start3A_220 = arith.constant 0 : i32
      %dma_start3A_221 = arith.constant 0 : i32
      %dma_start3A_222 = tpu.memref_slice %arg2[%dma_start3A_220, %dma_start3A_221] : memref<10000x128xf32, #tpu.memory_space<hbm>> -> memref<10000x128xf32, #tpu.memory_space<hbm>>
      tpu.enqueue_indirect_dma source(%dma_start3A_222 : memref<10000x128xf32, #tpu.memory_space<hbm>>) target(%dma_start3A_214 : memref<64x128xf32, #tpu.memory_space<vmem>>) offsets(%dma_start3A_219 : memref<64xi32, #tpu.memory_space<vmem>>) semaphore(%arg14 : memref<!tpu.dma_semaphore, #tpu.memory_space<semaphore_mem>>)
      "tpu.region"() ({
        %run_scoped3A = tpu.sem_alloc : memref<!tpu.dma_semaphore, #tpu.memory_space<semaphore_mem>>
        %dma_start3A_259 = arith.constant 0 : i32
        %dma_start3A_260 = tpu.memref_slice %arg8[%mul3A_191, %dma_start3A_259] : memref<40x128xi32, #tpu.memory_space<vmem>> -> memref<1x128xi32, #tpu.memory_space<vmem>>
        %dma_start3A_261 = tpu.memref_squeeze %dma_start3A_260 : memref<1x128xi32, #tpu.memory_space<vmem>> -> memref<128xi32, #tpu.memory_space<vmem>>
        %dma_start3A_262 = arith.constant 0 : i32
        %dma_start3A_263 = arith.constant 0 : i32
        %dma_start3A_264 = tpu.memref_slice %arg11[%dma_start3A_262, %dma_start3A_263] : memref<10240x128xf32, #tpu.memory_space<vmem_shared>> -> memref<10240x128xf32, #tpu.memory_space<vmem_shared>>
        tpu.enqueue_indirect_dma source(%arg9 : memref<128x128xf32, #tpu.memory_space<vmem>>) target(%dma_start3A_264 : memref<10240x128xf32, #tpu.memory_space<vmem_shared>>) offsets(%dma_start3A_261 : memref<128xi32, #tpu.memory_space<vmem>>) semaphore(%run_scoped3A : memref<!tpu.dma_semaphore, #tpu.memory_space<semaphore_mem>>) {add = true}
        %dma_wait3A_265 = arith.constant 0 : i32
        %dma_wait3A_266 = tpu.memref_slice %arg8[%mul3A_191, %dma_wait3A_265] : memref<40x128xi32, #tpu.memory_space<vmem>> -> memref<1x128xi32, #tpu.memory_space<vmem>>
        %dma_wait3A_267 = tpu.memref_squeeze %dma_wait3A_266 : memref<1x128xi32, #tpu.memory_space<vmem>> -> memref<128xi32, #tpu.memory_space<vmem>>
        %dma_wait3A_268 = arith.constant 0 : i32
        %dma_wait3A_269 = arith.constant 0 : i32
        %dma_wait3A_270 = tpu.memref_slice %arg11[%dma_wait3A_268, %dma_wait3A_269] : memref<10240x128xf32, #tpu.memory_space<vmem_shared>> -> memref<10240x128xf32, #tpu.memory_space<vmem_shared>>
        tpu.wait_indirect_dma semaphore(%run_scoped3A : memref<!tpu.dma_semaphore, #tpu.memory_space<semaphore_mem>>) src(%arg9 : memref<128x128xf32, #tpu.memory_space<vmem>>) dst(%dma_wait3A_270 : memref<10240x128xf32, #tpu.memory_space<vmem_shared>>)
        tpu.yield
      }) : () -> ()
      %dma_wait3A_223 = arith.constant 0 : i32
      %dma_wait3A_224 = arith.constant 0 : i32
      %dma_wait3A_225 = tpu.memref_slice %arg7[%dma_wait3A_223, %dma_wait3A_224] : memref<40x128xi32, #tpu.memory_space<vmem>> -> memref<1x128xi32, #tpu.memory_space<vmem>>
      %dma_wait3A_226 = tpu.memref_squeeze %dma_wait3A_225 : memref<1x128xi32, #tpu.memory_space<vmem>> -> memref<128xi32, #tpu.memory_space<vmem>>
      %dma_wait3A_227 = arith.constant 0 : i32
      %dma_wait3A_228 = arith.constant 0 : i32
      %dma_wait3A_229 = tpu.memref_slice %arg2[%dma_wait3A_227, %dma_wait3A_228] : memref<10000x128xf32, #tpu.memory_space<hbm>> -> memref<10000x128xf32, #tpu.memory_space<hbm>>
      tpu.wait_indirect_dma semaphore(%arg14 : memref<!tpu.dma_semaphore, #tpu.memory_space<semaphore_mem>>) src(%dma_wait3A_229 : memref<10000x128xf32, #tpu.memory_space<hbm>>) dst(%arg10 : memref<128x128xf32, #tpu.memory_space<vmem>>)
      %add3A_230 = arith.constant 2 : i32
      %add3A_231 = arith.addi %mul3A_191, %add3A_230 : i32
      %lt3A = arith.constant 40 : i32
      %lt3A_232 = arith.cmpi slt, %add3A_231, %lt3A : i32
      %add3A_233 = arith.constant 2 : i32
      %add3A_234 = arith.addi %mul3A_191, %add3A_233 : i32
      %jit3A = arith.constant 0 : i32
      %select_n3A = arith.select %lt3A_232, %add3A_234, %jit3A : i32
      %dma_start3A_235 = arith.constant 0 : i32
      %dma_start3A_236 = arith.constant 0 : i32
      %dma_start3A_237 = tpu.memref_slice %arg9[%dma_start3A_235, %dma_start3A_236] : memref<128x128xf32, #tpu.memory_space<vmem>> -> memref<64x128xf32, #tpu.memory_space<vmem>>
      %dma_start3A_238 = arith.constant 0 : i32
      %dma_start3A_239 = tpu.memref_slice %arg7[%select_n3A, %dma_start3A_238] : memref<40x128xi32, #tpu.memory_space<vmem>> -> memref<1x128xi32, #tpu.memory_space<vmem>>
      %dma_start3A_240 = tpu.memref_squeeze %dma_start3A_239 : memref<1x128xi32, #tpu.memory_space<vmem>> -> memref<128xi32, #tpu.memory_space<vmem>>
      %dma_start3A_241 = arith.constant 0 : i32
      %dma_start3A_242 = tpu.memref_slice %dma_start3A_240[%dma_start3A_241] : memref<128xi32, #tpu.memory_space<vmem>> -> memref<64xi32, #tpu.memory_space<vmem>>
      %dma_start3A_243 = arith.constant 0 : i32
      %dma_start3A_244 = arith.constant 0 : i32
      %dma_start3A_245 = tpu.memref_slice %arg2[%dma_start3A_243, %dma_start3A_244] : memref<10000x128xf32, #tpu.memory_space<hbm>> -> memref<10000x128xf32, #tpu.memory_space<hbm>>
      tpu.enqueue_indirect_dma source(%dma_start3A_245 : memref<10000x128xf32, #tpu.memory_space<hbm>>) target(%dma_start3A_237 : memref<64x128xf32, #tpu.memory_space<vmem>>) offsets(%dma_start3A_242 : memref<64xi32, #tpu.memory_space<vmem>>) semaphore(%arg13 : memref<!tpu.dma_semaphore, #tpu.memory_space<semaphore_mem>>)
      %dma_start3A_246 = arith.constant 64 : i32
      %dma_start3A_247 = arith.constant 0 : i32
      %dma_start3A_248 = tpu.memref_slice %arg9[%dma_start3A_246, %dma_start3A_247] : memref<128x128xf32, #tpu.memory_space<vmem>> -> memref<64x128xf32, #tpu.memory_space<vmem>>
      %dma_start3A_249 = arith.constant 0 : i32
      %dma_start3A_250 = tpu.memref_slice %arg7[%select_n3A, %dma_start3A_249] : memref<40x128xi32, #tpu.memory_space<vmem>> -> memref<1x128xi32, #tpu.memory_space<vmem>>
      %dma_start3A_251 = tpu.memref_squeeze %dma_start3A_250 : memref<1x128xi32, #tpu.memory_space<vmem>> -> memref<128xi32, #tpu.memory_space<vmem>>
      %dma_start3A_252 = arith.constant 64 : i32
      %dma_start3A_253 = tpu.memref_slice %dma_start3A_251[%dma_start3A_252] : memref<128xi32, #tpu.memory_space<vmem>> -> memref<64xi32, #tpu.memory_space<vmem>>
      %dma_start3A_254 = arith.constant 0 : i32
      %dma_start3A_255 = arith.constant 0 : i32
      %dma_start3A_256 = tpu.memref_slice %arg2[%dma_start3A_254, %dma_start3A_255] : memref<10000x128xf32, #tpu.memory_space<hbm>> -> memref<10000x128xf32, #tpu.memory_space<hbm>>
      tpu.enqueue_indirect_dma source(%dma_start3A_256 : memref<10000x128xf32, #tpu.memory_space<hbm>>) target(%dma_start3A_248 : memref<64x128xf32, #tpu.memory_space<vmem>>) offsets(%dma_start3A_253 : memref<64xi32, #tpu.memory_space<vmem>>) semaphore(%arg13 : memref<!tpu.dma_semaphore, #tpu.memory_space<semaphore_mem>>)
      %add3A_257 = arith.constant 1 : i32
      %add3A_258 = arith.addi %mul3A_191, %add3A_257 : i32
      "tpu.region"() ({
        %run_scoped3A = tpu.sem_alloc : memref<!tpu.dma_semaphore, #tpu.memory_space<semaphore_mem>>
        %dma_start3A_259 = arith.constant 0 : i32
        %dma_start3A_260 = tpu.memref_slice %arg8[%add3A_258, %dma_start3A_259] : memref<40x128xi32, #tpu.memory_space<vmem>> -> memref<1x128xi32, #tpu.memory_space<vmem>>
        %dma_start3A_261 = tpu.memref_squeeze %dma_start3A_260 : memref<1x128xi32, #tpu.memory_space<vmem>> -> memref<128xi32, #tpu.memory_space<vmem>>
        %dma_start3A_262 = arith.constant 0 : i32
        %dma_start3A_263 = arith.constant 0 : i32
        %dma_start3A_264 = tpu.memref_slice %arg11[%dma_start3A_262, %dma_start3A_263] : memref<10240x128xf32, #tpu.memory_space<vmem_shared>> -> memref<10240x128xf32, #tpu.memory_space<vmem_shared>>
        tpu.enqueue_indirect_dma source(%arg10 : memref<128x128xf32, #tpu.memory_space<vmem>>) target(%dma_start3A_264 : memref<10240x128xf32, #tpu.memory_space<vmem_shared>>) offsets(%dma_start3A_261 : memref<128xi32, #tpu.memory_space<vmem>>) semaphore(%run_scoped3A : memref<!tpu.dma_semaphore, #tpu.memory_space<semaphore_mem>>) {add = true}
        %dma_wait3A_265 = arith.constant 0 : i32
        %dma_wait3A_266 = tpu.memref_slice %arg8[%add3A_258, %dma_wait3A_265] : memref<40x128xi32, #tpu.memory_space<vmem>> -> memref<1x128xi32, #tpu.memory_space<vmem>>
        %dma_wait3A_267 = tpu.memref_squeeze %dma_wait3A_266 : memref<1x128xi32, #tpu.memory_space<vmem>> -> memref<128xi32, #tpu.memory_space<vmem>>
        %dma_wait3A_268 = arith.constant 0 : i32
        %dma_wait3A_269 = arith.constant 0 : i32
        %dma_wait3A_270 = tpu.memref_slice %arg11[%dma_wait3A_268, %dma_wait3A_269] : memref<10240x128xf32, #tpu.memory_space<vmem_shared>> -> memref<10240x128xf32, #tpu.memory_space<vmem_shared>>
        tpu.wait_indirect_dma semaphore(%run_scoped3A : memref<!tpu.dma_semaphore, #tpu.memory_space<semaphore_mem>>) src(%arg10 : memref<128x128xf32, #tpu.memory_space<vmem>>) dst(%dma_wait3A_270 : memref<10240x128xf32, #tpu.memory_space<vmem_shared>>)
        tpu.yield
      }) : () -> ()
    }
    %scan3A_176 = arith.constant 20 : i32
    %dma_wait3A_177 = arith.constant 0 : i32
    %dma_wait3A_178 = arith.constant 0 : i32
    %dma_wait3A_179 = tpu.memref_slice %arg7[%dma_wait3A_177, %dma_wait3A_178] : memref<40x128xi32, #tpu.memory_space<vmem>> -> memref<1x128xi32, #tpu.memory_space<vmem>>
    %dma_wait3A_180 = tpu.memref_squeeze %dma_wait3A_179 : memref<1x128xi32, #tpu.memory_space<vmem>> -> memref<128xi32, #tpu.memory_space<vmem>>
    %dma_wait3A_181 = arith.constant 0 : i32
    %dma_wait3A_182 = arith.constant 0 : i32
    %dma_wait3A_183 = tpu.memref_slice %arg2[%dma_wait3A_181, %dma_wait3A_182] : memref<10000x128xf32, #tpu.memory_space<hbm>> -> memref<10000x128xf32, #tpu.memory_space<hbm>>
    tpu.wait_indirect_dma semaphore(%arg13 : memref<!tpu.dma_semaphore, #tpu.memory_space<semaphore_mem>>) src(%dma_wait3A_183 : memref<10000x128xf32, #tpu.memory_space<hbm>>) dst(%arg9 : memref<128x128xf32, #tpu.memory_space<vmem>>)
    %barrier3A_184 = arith.constant 0 : index
    tpu.barrier barrier_id(%barrier3A_184)
    "tpu.region"() ({
      %run_scoped3A = tpu.sem_alloc : memref<!tpu.dma_semaphore, #tpu.memory_space<semaphore_mem>>
      %dma_start3A_185 = arith.constant 0 : i32
      %dma_start3A_186 = arith.constant 0 : i32
      %dma_start3A_187 = tpu.memref_slice %arg6[%arg0, %dma_start3A_185, %dma_start3A_186] : memref<2x10240x128xf32, #tpu.memory_space<hbm>> -> memref<1x10240x128xf32, #tpu.memory_space<hbm>>
      %dma_start3A_188 = tpu.memref_squeeze %dma_start3A_187 : memref<1x10240x128xf32, #tpu.memory_space<hbm>> -> memref<10240x128xf32, #tpu.memory_space<hbm>>
      %dma_start3A_189 = arith.constant 0 : i32
      %dma_start3A_190 = tpu.memref_slice %dma_start3A_188[%mul3A_2, %dma_start3A_189] : memref<10240x128xf32, #tpu.memory_space<hbm>> -> memref<640x128xf32, #tpu.memory_space<hbm>>
      %dma_start3A_191 = arith.constant 0 : i32
      %dma_start3A_192 = tpu.memref_slice %arg11[%mul3A_2, %dma_start3A_191] : memref<10240x128xf32, #tpu.memory_space<vmem_shared>> -> memref<640x128xf32, #tpu.memory_space<vmem_shared>>
      tpu.enqueue_dma source(%dma_start3A_192 : memref<640x128xf32, #tpu.memory_space<vmem_shared>>) target(%dma_start3A_190 : memref<640x128xf32, #tpu.memory_space<hbm>>) target_semaphore(%run_scoped3A : memref<!tpu.dma_semaphore, #tpu.memory_space<semaphore_mem>>)
      %dma_wait3A_193 = arith.constant 0 : i32
      %dma_wait3A_194 = arith.constant 0 : i32
      %dma_wait3A_195 = tpu.memref_slice %arg6[%arg0, %dma_wait3A_193, %dma_wait3A_194] : memref<2x10240x128xf32, #tpu.memory_space<hbm>> -> memref<1x10240x128xf32, #tpu.memory_space<hbm>>
      %dma_wait3A_196 = tpu.memref_squeeze %dma_wait3A_195 : memref<1x10240x128xf32, #tpu.memory_space<hbm>> -> memref<10240x128xf32, #tpu.memory_space<hbm>>
      %dma_wait3A_197 = arith.constant 0 : i32
      %dma_wait3A_198 = tpu.memref_slice %dma_wait3A_196[%mul3A_2, %dma_wait3A_197] : memref<10240x128xf32, #tpu.memory_space<hbm>> -> memref<640x128xf32, #tpu.memory_space<hbm>>
      %dma_wait3A_199 = arith.constant 0 : i32
      %dma_wait3A_200 = tpu.memref_slice %arg11[%mul3A_2, %dma_wait3A_199] : memref<10240x128xf32, #tpu.memory_space<vmem_shared>> -> memref<640x128xf32, #tpu.memory_space<vmem_shared>>
      tpu.wait_dma2 semaphore(%run_scoped3A : memref<!tpu.dma_semaphore, #tpu.memory_space<semaphore_mem>>) src(%dma_wait3A_200 : memref<640x128xf32, #tpu.memory_space<vmem_shared>>) dst(%dma_wait3A_198 : memref<640x128xf32, #tpu.memory_space<hbm>>)
      tpu.yield
    }) : () -> ()
    return
  }
}

#map = affine_map<(d0, d1) -> (0, 0)>
#map1 = affine_map<(d0, d1) -> (0, 0, 0)>
module attributes {stable_mosaic.version = 14 : i64} {
  func.func @_scatter_body(%arg0: i32, %arg1: i32, %arg2: memref<10000x128xf32, #tpu.memory_space<hbm>>, %arg3: memref<32x80x128xi32, #tpu.memory_space<hbm>>, %arg4: memref<32x80x128xi32, #tpu.memory_space<hbm>>, %arg5: memref<640x128xf32, #tpu.memory_space<hbm>>, %arg6: memref<2x10240x128xf32, #tpu.memory_space<hbm>>, %arg7: memref<40x128xi32, #tpu.memory_space<vmem>>, %arg8: memref<40x128xi32, #tpu.memory_space<vmem>>, %arg9: memref<128x128xf32, #tpu.memory_space<vmem>>, %arg10: memref<128x128xf32, #tpu.memory_space<vmem>>, %arg11: memref<10240x128xf32, #tpu.memory_space<vmem_shared>>, %arg12: memref<!tpu.dma_semaphore, #tpu.memory_space<semaphore_mem>>, %arg13: memref<!tpu.dma_semaphore, #tpu.memory_space<semaphore_mem>>, %arg14: memref<!tpu.dma_semaphore, #tpu.memory_space<semaphore_mem>>) attributes {dimension_semantics = [#tpu.dimension_semantics<core_parallel>, #tpu.dimension_semantics<subcore_parallel>], iteration_bounds = array<i64: 2, 16>, scalar_prefetch = 0 : i64, scratch_operands = 8 : i64, tpu.core_type = #tpu.core_type<sc_vector_subcore>, window_params = [{transform_indices = #map}, {transform_indices = #map1}, {transform_indices = #map1}, {transform_indices = #map}, {transform_indices = #map1}]} {
    %mul3A = arith.constant 16 : i32
    %mul3A_0 = arith.muli %arg0, %mul3A : i32
    %add3A = arith.addi %mul3A_0, %arg1 : i32
    %mul3A_1 = arith.constant 640 : i32
    %mul3A_2 = arith.muli %arg1, %mul3A_1 : i32
    "tpu.region"() ({
      %run_scoped3A = tpu.sem_alloc : memref<!tpu.dma_semaphore, #tpu.memory_space<semaphore_mem>>
      %dma_start3A_185 = arith.constant 0 : i32
      %dma_start3A_186 = tpu.memref_slice %arg11[%mul3A_2, %dma_start3A_185] : memref<10240x128xf32, #tpu.memory_space<vmem_shared>> -> memref<640x128xf32, #tpu.memory_space<vmem_shared>>
      tpu.enqueue_dma source(%arg5 : memref<640x128xf32, #tpu.memory_space<hbm>>) target(%dma_start3A_186 : memref<640x128xf32, #tpu.memory_space<vmem_shared>>) target_semaphore(%run_scoped3A : memref<!tpu.dma_semaphore, #tpu.memory_space<semaphore_mem>>)
      %dma_wait3A_187 = arith.constant 0 : i32
      %dma_wait3A_188 = tpu.memref_slice %arg11[%mul3A_2, %dma_wait3A_187] : memref<10240x128xf32, #tpu.memory_space<vmem_shared>> -> memref<640x128xf32, #tpu.memory_space<vmem_shared>>
      tpu.wait_dma2 semaphore(%run_scoped3A : memref<!tpu.dma_semaphore, #tpu.memory_space<semaphore_mem>>) src(%arg5 : memref<640x128xf32, #tpu.memory_space<hbm>>) dst(%dma_wait3A_188 : memref<640x128xf32, #tpu.memory_space<vmem_shared>>)
      tpu.yield
    }) : () -> ()
    %barrier3A = arith.constant 0 : index
    tpu.barrier barrier_id(%barrier3A)
    %dma_start3A = arith.constant 0 : i32
    %dma_start3A_3 = arith.constant 0 : i32
    %dma_start3A_4 = tpu.memref_slice %arg3[%add3A, %dma_start3A, %dma_start3A_3] : memref<32x80x128xi32, #tpu.memory_space<hbm>> -> memref<1x80x128xi32, #tpu.memory_space<hbm>>
    %dma_start3A_5 = tpu.memref_squeeze %dma_start3A_4 : memref<1x80x128xi32, #tpu.memory_space<hbm>> -> memref<80x128xi32, #tpu.memory_space<hbm>>
    %dma_start3A_6 = arith.constant 0 : i32
    %dma_start3A_7 = arith.constant 0 : i32
    %dma_start3A_8 = tpu.memref_slice %dma_start3A_5[%dma_start3A_6, %dma_start3A_7] : memref<80x128xi32, #tpu.memory_space<hbm>> -> memref<40x128xi32, #tpu.memory_space<hbm>>
    %dma_start3A_9 = arith.constant 0 : i32
    %dma_start3A_10 = arith.constant 0 : i32
    %dma_start3A_11 = tpu.memref_slice %arg3[%add3A, %dma_start3A_9, %dma_start3A_10] : memref<32x80x128xi32, #tpu.memory_space<hbm>> -> memref<1x80x128xi32, #tpu.memory_space<hbm>>
    %dma_start3A_12 = tpu.memref_squeeze %dma_start3A_11 : memref<1x80x128xi32, #tpu.memory_space<hbm>> -> memref<80x128xi32, #tpu.memory_space<hbm>>
    %dma_start3A_13 = arith.constant 0 : i32
    %dma_start3A_14 = arith.constant 0 : i32
    %dma_start3A_15 = tpu.memref_slice %dma_start3A_12[%dma_start3A_13, %dma_start3A_14] : memref<80x128xi32, #tpu.memory_space<hbm>> -> memref<40x128xi32, #tpu.memory_space<hbm>>
    tpu.enqueue_dma source(%dma_start3A_15 : memref<40x128xi32, #tpu.memory_space<hbm>>) target(%arg7 : memref<40x128xi32, #tpu.memory_space<vmem>>) target_semaphore(%arg12 : memref<!tpu.dma_semaphore, #tpu.memory_space<semaphore_mem>>)
    %dma_wait3A = arith.constant 0 : i32
    %dma_wait3A_16 = arith.constant 0 : i32
    %dma_wait3A_17 = tpu.memref_slice %arg3[%add3A, %dma_wait3A, %dma_wait3A_16] : memref<32x80x128xi32, #tpu.memory_space<hbm>> -> memref<1x80x128xi32, #tpu.memory_space<hbm>>
    %dma_wait3A_18 = tpu.memref_squeeze %dma_wait3A_17 : memref<1x80x128xi32, #tpu.memory_space<hbm>> -> memref<80x128xi32, #tpu.memory_space<hbm>>
    %dma_wait3A_19 = arith.constant 0 : i32
    %dma_wait3A_20 = arith.constant 0 : i32
    %dma_wait3A_21 = tpu.memref_slice %dma_wait3A_18[%dma_wait3A_19, %dma_wait3A_20] : memref<80x128xi32, #tpu.memory_space<hbm>> -> memref<40x128xi32, #tpu.memory_space<hbm>>
    %dma_wait3A_22 = arith.constant 0 : i32
    %dma_wait3A_23 = arith.constant 0 : i32
    %dma_wait3A_24 = tpu.memref_slice %arg3[%add3A, %dma_wait3A_22, %dma_wait3A_23] : memref<32x80x128xi32, #tpu.memory_space<hbm>> -> memref<1x80x128xi32, #tpu.memory_space<hbm>>
    %dma_wait3A_25 = tpu.memref_squeeze %dma_wait3A_24 : memref<1x80x128xi32, #tpu.memory_space<hbm>> -> memref<80x128xi32, #tpu.memory_space<hbm>>
    %dma_wait3A_26 = arith.constant 0 : i32
    %dma_wait3A_27 = arith.constant 0 : i32
    %dma_wait3A_28 = tpu.memref_slice %dma_wait3A_25[%dma_wait3A_26, %dma_wait3A_27] : memref<80x128xi32, #tpu.memory_space<hbm>> -> memref<40x128xi32, #tpu.memory_space<hbm>>
    tpu.wait_dma2 semaphore(%arg12 : memref<!tpu.dma_semaphore, #tpu.memory_space<semaphore_mem>>) src(%dma_wait3A_28 : memref<40x128xi32, #tpu.memory_space<hbm>>) dst(%arg7 : memref<40x128xi32, #tpu.memory_space<vmem>>)
    %dma_start3A_29 = arith.constant 0 : i32
    %dma_start3A_30 = arith.constant 0 : i32
    %dma_start3A_31 = tpu.memref_slice %arg4[%add3A, %dma_start3A_29, %dma_start3A_30] : memref<32x80x128xi32, #tpu.memory_space<hbm>> -> memref<1x80x128xi32, #tpu.memory_space<hbm>>
    %dma_start3A_32 = tpu.memref_squeeze %dma_start3A_31 : memref<1x80x128xi32, #tpu.memory_space<hbm>> -> memref<80x128xi32, #tpu.memory_space<hbm>>
    %dma_start3A_33 = arith.constant 0 : i32
    %dma_start3A_34 = arith.constant 0 : i32
    %dma_start3A_35 = tpu.memref_slice %dma_start3A_32[%dma_start3A_33, %dma_start3A_34] : memref<80x128xi32, #tpu.memory_space<hbm>> -> memref<40x128xi32, #tpu.memory_space<hbm>>
    %dma_start3A_36 = arith.constant 0 : i32
    %dma_start3A_37 = arith.constant 0 : i32
    %dma_start3A_38 = tpu.memref_slice %arg4[%add3A, %dma_start3A_36, %dma_start3A_37] : memref<32x80x128xi32, #tpu.memory_space<hbm>> -> memref<1x80x128xi32, #tpu.memory_space<hbm>>
    %dma_start3A_39 = tpu.memref_squeeze %dma_start3A_38 : memref<1x80x128xi32, #tpu.memory_space<hbm>> -> memref<80x128xi32, #tpu.memory_space<hbm>>
    %dma_start3A_40 = arith.constant 0 : i32
    %dma_start3A_41 = arith.constant 0 : i32
    %dma_start3A_42 = tpu.memref_slice %dma_start3A_39[%dma_start3A_40, %dma_start3A_41] : memref<80x128xi32, #tpu.memory_space<hbm>> -> memref<40x128xi32, #tpu.memory_space<hbm>>
    tpu.enqueue_dma source(%dma_start3A_42 : memref<40x128xi32, #tpu.memory_space<hbm>>) target(%arg8 : memref<40x128xi32, #tpu.memory_space<vmem>>) target_semaphore(%arg12 : memref<!tpu.dma_semaphore, #tpu.memory_space<semaphore_mem>>)
    %dma_wait3A_43 = arith.constant 0 : i32
    %dma_wait3A_44 = arith.constant 0 : i32
    %dma_wait3A_45 = tpu.memref_slice %arg4[%add3A, %dma_wait3A_43, %dma_wait3A_44] : memref<32x80x128xi32, #tpu.memory_space<hbm>> -> memref<1x80x128xi32, #tpu.memory_space<hbm>>
    %dma_wait3A_46 = tpu.memref_squeeze %dma_wait3A_45 : memref<1x80x128xi32, #tpu.memory_space<hbm>> -> memref<80x128xi32, #tpu.memory_space<hbm>>
    %dma_wait3A_47 = arith.constant 0 : i32
    %dma_wait3A_48 = arith.constant 0 : i32
    %dma_wait3A_49 = tpu.memref_slice %dma_wait3A_46[%dma_wait3A_47, %dma_wait3A_48] : memref<80x128xi32, #tpu.memory_space<hbm>> -> memref<40x128xi32, #tpu.memory_space<hbm>>
    %dma_wait3A_50 = arith.constant 0 : i32
    %dma_wait3A_51 = arith.constant 0 : i32
    %dma_wait3A_52 = tpu.memref_slice %arg4[%add3A, %dma_wait3A_50, %dma_wait3A_51] : memref<32x80x128xi32, #tpu.memory_space<hbm>> -> memref<1x80x128xi32, #tpu.memory_space<hbm>>
    %dma_wait3A_53 = tpu.memref_squeeze %dma_wait3A_52 : memref<1x80x128xi32, #tpu.memory_space<hbm>> -> memref<80x128xi32, #tpu.memory_space<hbm>>
    %dma_wait3A_54 = arith.constant 0 : i32
    %dma_wait3A_55 = arith.constant 0 : i32
    %dma_wait3A_56 = tpu.memref_slice %dma_wait3A_53[%dma_wait3A_54, %dma_wait3A_55] : memref<80x128xi32, #tpu.memory_space<hbm>> -> memref<40x128xi32, #tpu.memory_space<hbm>>
    tpu.wait_dma2 semaphore(%arg12 : memref<!tpu.dma_semaphore, #tpu.memory_space<semaphore_mem>>) src(%dma_wait3A_56 : memref<40x128xi32, #tpu.memory_space<hbm>>) dst(%arg8 : memref<40x128xi32, #tpu.memory_space<vmem>>)
    %dma_start3A_57 = arith.constant 0 : i32
    %dma_start3A_58 = arith.constant 0 : i32
    %dma_start3A_59 = arith.constant 0 : i32
    %dma_start3A_60 = tpu.memref_slice %arg9[%dma_start3A_58, %dma_start3A_59] : memref<128x128xf32, #tpu.memory_space<vmem>> -> memref<64x128xf32, #tpu.memory_space<vmem>>
    %dma_start3A_61 = arith.constant 0 : i32
    %dma_start3A_62 = tpu.memref_slice %arg7[%dma_start3A_57, %dma_start3A_61] : memref<40x128xi32, #tpu.memory_space<vmem>> -> memref<1x128xi32, #tpu.memory_space<vmem>>
    %dma_start3A_63 = tpu.memref_squeeze %dma_start3A_62 : memref<1x128xi32, #tpu.memory_space<vmem>> -> memref<128xi32, #tpu.memory_space<vmem>>
    %dma_start3A_64 = arith.constant 0 : i32
    %dma_start3A_65 = tpu.memref_slice %dma_start3A_63[%dma_start3A_64] : memref<128xi32, #tpu.memory_space<vmem>> -> memref<64xi32, #tpu.memory_space<vmem>>
    %dma_start3A_66 = arith.constant 0 : i32
    %dma_start3A_67 = arith.constant 0 : i32
    %dma_start3A_68 = tpu.memref_slice %arg2[%dma_start3A_66, %dma_start3A_67] : memref<10000x128xf32, #tpu.memory_space<hbm>> -> memref<10000x128xf32, #tpu.memory_space<hbm>>
    tpu.enqueue_indirect_dma source(%dma_start3A_68 : memref<10000x128xf32, #tpu.memory_space<hbm>>) target(%dma_start3A_60 : memref<64x128xf32, #tpu.memory_space<vmem>>) offsets(%dma_start3A_65 : memref<64xi32, #tpu.memory_space<vmem>>) semaphore(%arg13 : memref<!tpu.dma_semaphore, #tpu.memory_space<semaphore_mem>>)
    %dma_start3A_69 = arith.constant 0 : i32
    %dma_start3A_70 = arith.constant 64 : i32
    %dma_start3A_71 = arith.constant 0 : i32
    %dma_start3A_72 = tpu.memref_slice %arg9[%dma_start3A_70, %dma_start3A_71] : memref<128x128xf32, #tpu.memory_space<vmem>> -> memref<64x128xf32, #tpu.memory_space<vmem>>
    %dma_start3A_73 = arith.constant 0 : i32
    %dma_start3A_74 = tpu.memref_slice %arg7[%dma_start3A_69, %dma_start3A_73] : memref<40x128xi32, #tpu.memory_space<vmem>> -> memref<1x128xi32, #tpu.memory_space<vmem>>
    %dma_start3A_75 = tpu.memref_squeeze %dma_start3A_74 : memref<1x128xi32, #tpu.memory_space<vmem>> -> memref<128xi32, #tpu.memory_space<vmem>>
    %dma_start3A_76 = arith.constant 64 : i32
    %dma_start3A_77 = tpu.memref_slice %dma_start3A_75[%dma_start3A_76] : memref<128xi32, #tpu.memory_space<vmem>> -> memref<64xi32, #tpu.memory_space<vmem>>
    %dma_start3A_78 = arith.constant 0 : i32
    %dma_start3A_79 = arith.constant 0 : i32
    %dma_start3A_80 = tpu.memref_slice %arg2[%dma_start3A_78, %dma_start3A_79] : memref<10000x128xf32, #tpu.memory_space<hbm>> -> memref<10000x128xf32, #tpu.memory_space<hbm>>
    tpu.enqueue_indirect_dma source(%dma_start3A_80 : memref<10000x128xf32, #tpu.memory_space<hbm>>) target(%dma_start3A_72 : memref<64x128xf32, #tpu.memory_space<vmem>>) offsets(%dma_start3A_77 : memref<64xi32, #tpu.memory_space<vmem>>) semaphore(%arg13 : memref<!tpu.dma_semaphore, #tpu.memory_space<semaphore_mem>>)
    %scan3A = arith.constant 0 : i32
    %scan3A_81 = arith.constant 20 : i32
    %scan3A_82 = arith.addi %scan3A, %scan3A_81 : i32
    %scan3A_83 = arith.constant 1 : i32
    scf.for %scan3A_185 = %scan3A to %scan3A_82 step %scan3A_83  : i32 {
      %mul3A_186 = arith.constant 1 : i32
      %mul3A_187 = arith.muli %scan3A_185, %mul3A_186 : i32
      %add3A_188 = arith.constant 0 : i32
      %add3A_189 = arith.addi %add3A_188, %mul3A_187 : i32
      %mul3A_190 = arith.constant 2 : i32
      %mul3A_191 = arith.muli %mul3A_190, %add3A_189 : i32
      %dma_wait3A_192 = arith.constant 0 : i32
      %dma_wait3A_193 = arith.constant 0 : i32
      %dma_wait3A_194 = tpu.memref_slice %arg7[%dma_wait3A_192, %dma_wait3A_193] : memref<40x128xi32, #tpu.memory_space<vmem>> -> memref<1x128xi32, #tpu.memory_space<vmem>>
      %dma_wait3A_195 = tpu.memref_squeeze %dma_wait3A_194 : memref<1x128xi32, #tpu.memory_space<vmem>> -> memref<128xi32, #tpu.memory_space<vmem>>
      %dma_wait3A_196 = arith.constant 0 : i32
      %dma_wait3A_197 = arith.constant 0 : i32
      %dma_wait3A_198 = tpu.memref_slice %arg2[%dma_wait3A_196, %dma_wait3A_197] : memref<10000x128xf32, #tpu.memory_space<hbm>> -> memref<10000x128xf32, #tpu.memory_space<hbm>>
      tpu.wait_indirect_dma semaphore(%arg13 : memref<!tpu.dma_semaphore, #tpu.memory_space<semaphore_mem>>) src(%dma_wait3A_198 : memref<10000x128xf32, #tpu.memory_space<hbm>>) dst(%arg9 : memref<128x128xf32, #tpu.memory_space<vmem>>)
      %add3A_199 = arith.constant 1 : i32
      %add3A_200 = arith.addi %mul3A_191, %add3A_199 : i32
      %dma_start3A_201 = arith.constant 0 : i32
      %dma_start3A_202 = arith.constant 0 : i32
      %dma_start3A_203 = tpu.memref_slice %arg10[%dma_start3A_201, %dma_start3A_202] : memref<128x128xf32, #tpu.memory_space<vmem>> -> memref<64x128xf32, #tpu.memory_space<vmem>>
      %dma_start3A_204 = arith.constant 0 : i32
      %dma_start3A_205 = tpu.memref_slice %arg7[%add3A_200, %dma_start3A_204] : memref<40x128xi32, #tpu.memory_space<vmem>> -> memref<1x128xi32, #tpu.memory_space<vmem>>
      %dma_start3A_206 = tpu.memref_squeeze %dma_start3A_205 : memref<1x128xi32, #tpu.memory_space<vmem>> -> memref<128xi32, #tpu.memory_space<vmem>>
      %dma_start3A_207 = arith.constant 0 : i32
      %dma_start3A_208 = tpu.memref_slice %dma_start3A_206[%dma_start3A_207] : memref<128xi32, #tpu.memory_space<vmem>> -> memref<64xi32, #tpu.memory_space<vmem>>
      %dma_start3A_209 = arith.constant 0 : i32
      %dma_start3A_210 = arith.constant 0 : i32
      %dma_start3A_211 = tpu.memref_slice %arg2[%dma_start3A_209, %dma_start3A_210] : memref<10000x128xf32, #tpu.memory_space<hbm>> -> memref<10000x128xf32, #tpu.memory_space<hbm>>
      tpu.enqueue_indirect_dma source(%dma_start3A_211 : memref<10000x128xf32, #tpu.memory_space<hbm>>) target(%dma_start3A_203 : memref<64x128xf32, #tpu.memory_space<vmem>>) offsets(%dma_start3A_208 : memref<64xi32, #tpu.memory_space<vmem>>) semaphore(%arg14 : memref<!tpu.dma_semaphore, #tpu.memory_space<semaphore_mem>>)
      %dma_start3A_212 = arith.constant 64 : i32
      %dma_start3A_213 = arith.constant 0 : i32
      %dma_start3A_214 = tpu.memref_slice %arg10[%dma_start3A_212, %dma_start3A_213] : memref<128x128xf32, #tpu.memory_space<vmem>> -> memref<64x128xf32, #tpu.memory_space<vmem>>
      %dma_start3A_215 = arith.constant 0 : i32
      %dma_start3A_216 = tpu.memref_slice %arg7[%add3A_200, %dma_start3A_215] : memref<40x128xi32, #tpu.memory_space<vmem>> -> memref<1x128xi32, #tpu.memory_space<vmem>>
      %dma_start3A_217 = tpu.memref_squeeze %dma_start3A_216 : memref<1x128xi32, #tpu.memory_space<vmem>> -> memref<128xi32, #tpu.memory_space<vmem>>
      %dma_start3A_218 = arith.constant 64 : i32
      %dma_start3A_219 = tpu.memref_slice %dma_start3A_217[%dma_start3A_218] : memref<128xi32, #tpu.memory_space<vmem>> -> memref<64xi32, #tpu.memory_space<vmem>>
      %dma_start3A_220 = arith.constant 0 : i32
      %dma_start3A_221 = arith.constant 0 : i32
      %dma_start3A_222 = tpu.memref_slice %arg2[%dma_start3A_220, %dma_start3A_221] : memref<10000x128xf32, #tpu.memory_space<hbm>> -> memref<10000x128xf32, #tpu.memory_space<hbm>>
      tpu.enqueue_indirect_dma source(%dma_start3A_222 : memref<10000x128xf32, #tpu.memory_space<hbm>>) target(%dma_start3A_214 : memref<64x128xf32, #tpu.memory_space<vmem>>) offsets(%dma_start3A_219 : memref<64xi32, #tpu.memory_space<vmem>>) semaphore(%arg14 : memref<!tpu.dma_semaphore, #tpu.memory_space<semaphore_mem>>)
      "tpu.region"() ({
        %run_scoped3A = tpu.sem_alloc : memref<!tpu.dma_semaphore, #tpu.memory_space<semaphore_mem>>
        %dma_start3A_259 = arith.constant 0 : i32
        %dma_start3A_260 = tpu.memref_slice %arg8[%mul3A_191, %dma_start3A_259] : memref<40x128xi32, #tpu.memory_space<vmem>> -> memref<1x128xi32, #tpu.memory_space<vmem>>
        %dma_start3A_261 = tpu.memref_squeeze %dma_start3A_260 : memref<1x128xi32, #tpu.memory_space<vmem>> -> memref<128xi32, #tpu.memory_space<vmem>>
        %dma_start3A_262 = arith.constant 0 : i32
        %dma_start3A_263 = arith.constant 0 : i32
        %dma_start3A_264 = tpu.memref_slice %arg11[%dma_start3A_262, %dma_start3A_263] : memref<10240x128xf32, #tpu.memory_space<vmem_shared>> -> memref<10240x128xf32, #tpu.memory_space<vmem_shared>>
        tpu.enqueue_indirect_dma source(%arg9 : memref<128x128xf32, #tpu.memory_space<vmem>>) target(%dma_start3A_264 : memref<10240x128xf32, #tpu.memory_space<vmem_shared>>) offsets(%dma_start3A_261 : memref<128xi32, #tpu.memory_space<vmem>>) semaphore(%run_scoped3A : memref<!tpu.dma_semaphore, #tpu.memory_space<semaphore_mem>>) {add = true}
        %dma_wait3A_265 = arith.constant 0 : i32
        %dma_wait3A_266 = tpu.memref_slice %arg8[%mul3A_191, %dma_wait3A_265] : memref<40x128xi32, #tpu.memory_space<vmem>> -> memref<1x128xi32, #tpu.memory_space<vmem>>
        %dma_wait3A_267 = tpu.memref_squeeze %dma_wait3A_266 : memref<1x128xi32, #tpu.memory_space<vmem>> -> memref<128xi32, #tpu.memory_space<vmem>>
        %dma_wait3A_268 = arith.constant 0 : i32
        %dma_wait3A_269 = arith.constant 0 : i32
        %dma_wait3A_270 = tpu.memref_slice %arg11[%dma_wait3A_268, %dma_wait3A_269] : memref<10240x128xf32, #tpu.memory_space<vmem_shared>> -> memref<10240x128xf32, #tpu.memory_space<vmem_shared>>
        tpu.wait_indirect_dma semaphore(%run_scoped3A : memref<!tpu.dma_semaphore, #tpu.memory_space<semaphore_mem>>) src(%arg9 : memref<128x128xf32, #tpu.memory_space<vmem>>) dst(%dma_wait3A_270 : memref<10240x128xf32, #tpu.memory_space<vmem_shared>>)
        tpu.yield
      }) : () -> ()
      %dma_wait3A_223 = arith.constant 0 : i32
      %dma_wait3A_224 = arith.constant 0 : i32
      %dma_wait3A_225 = tpu.memref_slice %arg7[%dma_wait3A_223, %dma_wait3A_224] : memref<40x128xi32, #tpu.memory_space<vmem>> -> memref<1x128xi32, #tpu.memory_space<vmem>>
      %dma_wait3A_226 = tpu.memref_squeeze %dma_wait3A_225 : memref<1x128xi32, #tpu.memory_space<vmem>> -> memref<128xi32, #tpu.memory_space<vmem>>
      %dma_wait3A_227 = arith.constant 0 : i32
      %dma_wait3A_228 = arith.constant 0 : i32
      %dma_wait3A_229 = tpu.memref_slice %arg2[%dma_wait3A_227, %dma_wait3A_228] : memref<10000x128xf32, #tpu.memory_space<hbm>> -> memref<10000x128xf32, #tpu.memory_space<hbm>>
      tpu.wait_indirect_dma semaphore(%arg14 : memref<!tpu.dma_semaphore, #tpu.memory_space<semaphore_mem>>) src(%dma_wait3A_229 : memref<10000x128xf32, #tpu.memory_space<hbm>>) dst(%arg10 : memref<128x128xf32, #tpu.memory_space<vmem>>)
      %add3A_230 = arith.constant 2 : i32
      %add3A_231 = arith.addi %mul3A_191, %add3A_230 : i32
      %lt3A = arith.constant 40 : i32
      %lt3A_232 = arith.cmpi slt, %add3A_231, %lt3A : i32
      %add3A_233 = arith.constant 2 : i32
      %add3A_234 = arith.addi %mul3A_191, %add3A_233 : i32
      %jit3A = arith.constant 0 : i32
      %select_n3A = arith.select %lt3A_232, %add3A_234, %jit3A : i32
      %dma_start3A_235 = arith.constant 0 : i32
      %dma_start3A_236 = arith.constant 0 : i32
      %dma_start3A_237 = tpu.memref_slice %arg9[%dma_start3A_235, %dma_start3A_236] : memref<128x128xf32, #tpu.memory_space<vmem>> -> memref<64x128xf32, #tpu.memory_space<vmem>>
      %dma_start3A_238 = arith.constant 0 : i32
      %dma_start3A_239 = tpu.memref_slice %arg7[%select_n3A, %dma_start3A_238] : memref<40x128xi32, #tpu.memory_space<vmem>> -> memref<1x128xi32, #tpu.memory_space<vmem>>
      %dma_start3A_240 = tpu.memref_squeeze %dma_start3A_239 : memref<1x128xi32, #tpu.memory_space<vmem>> -> memref<128xi32, #tpu.memory_space<vmem>>
      %dma_start3A_241 = arith.constant 0 : i32
      %dma_start3A_242 = tpu.memref_slice %dma_start3A_240[%dma_start3A_241] : memref<128xi32, #tpu.memory_space<vmem>> -> memref<64xi32, #tpu.memory_space<vmem>>
      %dma_start3A_243 = arith.constant 0 : i32
      %dma_start3A_244 = arith.constant 0 : i32
      %dma_start3A_245 = tpu.memref_slice %arg2[%dma_start3A_243, %dma_start3A_244] : memref<10000x128xf32, #tpu.memory_space<hbm>> -> memref<10000x128xf32, #tpu.memory_space<hbm>>
      tpu.enqueue_indirect_dma source(%dma_start3A_245 : memref<10000x128xf32, #tpu.memory_space<hbm>>) target(%dma_start3A_237 : memref<64x128xf32, #tpu.memory_space<vmem>>) offsets(%dma_start3A_242 : memref<64xi32, #tpu.memory_space<vmem>>) semaphore(%arg13 : memref<!tpu.dma_semaphore, #tpu.memory_space<semaphore_mem>>)
      %dma_start3A_246 = arith.constant 64 : i32
      %dma_start3A_247 = arith.constant 0 : i32
      %dma_start3A_248 = tpu.memref_slice %arg9[%dma_start3A_246, %dma_start3A_247] : memref<128x128xf32, #tpu.memory_space<vmem>> -> memref<64x128xf32, #tpu.memory_space<vmem>>
      %dma_start3A_249 = arith.constant 0 : i32
      %dma_start3A_250 = tpu.memref_slice %arg7[%select_n3A, %dma_start3A_249] : memref<40x128xi32, #tpu.memory_space<vmem>> -> memref<1x128xi32, #tpu.memory_space<vmem>>
      %dma_start3A_251 = tpu.memref_squeeze %dma_start3A_250 : memref<1x128xi32, #tpu.memory_space<vmem>> -> memref<128xi32, #tpu.memory_space<vmem>>
      %dma_start3A_252 = arith.constant 64 : i32
      %dma_start3A_253 = tpu.memref_slice %dma_start3A_251[%dma_start3A_252] : memref<128xi32, #tpu.memory_space<vmem>> -> memref<64xi32, #tpu.memory_space<vmem>>
      %dma_start3A_254 = arith.constant 0 : i32
      %dma_start3A_255 = arith.constant 0 : i32
      %dma_start3A_256 = tpu.memref_slice %arg2[%dma_start3A_254, %dma_start3A_255] : memref<10000x128xf32, #tpu.memory_space<hbm>> -> memref<10000x128xf32, #tpu.memory_space<hbm>>
      tpu.enqueue_indirect_dma source(%dma_start3A_256 : memref<10000x128xf32, #tpu.memory_space<hbm>>) target(%dma_start3A_248 : memref<64x128xf32, #tpu.memory_space<vmem>>) offsets(%dma_start3A_253 : memref<64xi32, #tpu.memory_space<vmem>>) semaphore(%arg13 : memref<!tpu.dma_semaphore, #tpu.memory_space<semaphore_mem>>)
      %add3A_257 = arith.constant 1 : i32
      %add3A_258 = arith.addi %mul3A_191, %add3A_257 : i32
      "tpu.region"() ({
        %run_scoped3A = tpu.sem_alloc : memref<!tpu.dma_semaphore, #tpu.memory_space<semaphore_mem>>
        %dma_start3A_259 = arith.constant 0 : i32
        %dma_start3A_260 = tpu.memref_slice %arg8[%add3A_258, %dma_start3A_259] : memref<40x128xi32, #tpu.memory_space<vmem>> -> memref<1x128xi32, #tpu.memory_space<vmem>>
        %dma_start3A_261 = tpu.memref_squeeze %dma_start3A_260 : memref<1x128xi32, #tpu.memory_space<vmem>> -> memref<128xi32, #tpu.memory_space<vmem>>
        %dma_start3A_262 = arith.constant 0 : i32
        %dma_start3A_263 = arith.constant 0 : i32
        %dma_start3A_264 = tpu.memref_slice %arg11[%dma_start3A_262, %dma_start3A_263] : memref<10240x128xf32, #tpu.memory_space<vmem_shared>> -> memref<10240x128xf32, #tpu.memory_space<vmem_shared>>
        tpu.enqueue_indirect_dma source(%arg10 : memref<128x128xf32, #tpu.memory_space<vmem>>) target(%dma_start3A_264 : memref<10240x128xf32, #tpu.memory_space<vmem_shared>>) offsets(%dma_start3A_261 : memref<128xi32, #tpu.memory_space<vmem>>) semaphore(%run_scoped3A : memref<!tpu.dma_semaphore, #tpu.memory_space<semaphore_mem>>) {add = true}
        %dma_wait3A_265 = arith.constant 0 : i32
        %dma_wait3A_266 = tpu.memref_slice %arg8[%add3A_258, %dma_wait3A_265] : memref<40x128xi32, #tpu.memory_space<vmem>> -> memref<1x128xi32, #tpu.memory_space<vmem>>
        %dma_wait3A_267 = tpu.memref_squeeze %dma_wait3A_266 : memref<1x128xi32, #tpu.memory_space<vmem>> -> memref<128xi32, #tpu.memory_space<vmem>>
        %dma_wait3A_268 = arith.constant 0 : i32
        %dma_wait3A_269 = arith.constant 0 : i32
        %dma_wait3A_270 = tpu.memref_slice %arg11[%dma_wait3A_268, %dma_wait3A_269] : memref<10240x128xf32, #tpu.memory_space<vmem_shared>> -> memref<10240x128xf32, #tpu.memory_space<vmem_shared>>
        tpu.wait_indirect_dma semaphore(%run_scoped3A : memref<!tpu.dma_semaphore, #tpu.memory_space<semaphore_mem>>) src(%arg10 : memref<128x128xf32, #tpu.memory_space<vmem>>) dst(%dma_wait3A_270 : memref<10240x128xf32, #tpu.memory_space<vmem_shared>>)
        tpu.yield
      }) : () -> ()
    }
    %scan3A_84 = arith.constant 20 : i32
    %dma_wait3A_85 = arith.constant 0 : i32
    %dma_wait3A_86 = arith.constant 0 : i32
    %dma_wait3A_87 = tpu.memref_slice %arg7[%dma_wait3A_85, %dma_wait3A_86] : memref<40x128xi32, #tpu.memory_space<vmem>> -> memref<1x128xi32, #tpu.memory_space<vmem>>
    %dma_wait3A_88 = tpu.memref_squeeze %dma_wait3A_87 : memref<1x128xi32, #tpu.memory_space<vmem>> -> memref<128xi32, #tpu.memory_space<vmem>>
    %dma_wait3A_89 = arith.constant 0 : i32
    %dma_wait3A_90 = arith.constant 0 : i32
    %dma_wait3A_91 = tpu.memref_slice %arg2[%dma_wait3A_89, %dma_wait3A_90] : memref<10000x128xf32, #tpu.memory_space<hbm>> -> memref<10000x128xf32, #tpu.memory_space<hbm>>
    tpu.wait_indirect_dma semaphore(%arg13 : memref<!tpu.dma_semaphore, #tpu.memory_space<semaphore_mem>>) src(%dma_wait3A_91 : memref<10000x128xf32, #tpu.memory_space<hbm>>) dst(%arg9 : memref<128x128xf32, #tpu.memory_space<vmem>>)
    %dma_start3A_92 = arith.constant 0 : i32
    %dma_start3A_93 = arith.constant 0 : i32
    %dma_start3A_94 = tpu.memref_slice %arg3[%add3A, %dma_start3A_92, %dma_start3A_93] : memref<32x80x128xi32, #tpu.memory_space<hbm>> -> memref<1x80x128xi32, #tpu.memory_space<hbm>>
    %dma_start3A_95 = tpu.memref_squeeze %dma_start3A_94 : memref<1x80x128xi32, #tpu.memory_space<hbm>> -> memref<80x128xi32, #tpu.memory_space<hbm>>
    %dma_start3A_96 = arith.constant 40 : i32
    %dma_start3A_97 = arith.constant 0 : i32
    %dma_start3A_98 = tpu.memref_slice %dma_start3A_95[%dma_start3A_96, %dma_start3A_97] : memref<80x128xi32, #tpu.memory_space<hbm>> -> memref<40x128xi32, #tpu.memory_space<hbm>>
    %dma_start3A_99 = arith.constant 0 : i32
    %dma_start3A_100 = arith.constant 0 : i32
    %dma_start3A_101 = tpu.memref_slice %arg3[%add3A, %dma_start3A_99, %dma_start3A_100] : memref<32x80x128xi32, #tpu.memory_space<hbm>> -> memref<1x80x128xi32, #tpu.memory_space<hbm>>
    %dma_start3A_102 = tpu.memref_squeeze %dma_start3A_101 : memref<1x80x128xi32, #tpu.memory_space<hbm>> -> memref<80x128xi32, #tpu.memory_space<hbm>>
    %dma_start3A_103 = arith.constant 40 : i32
    %dma_start3A_104 = arith.constant 0 : i32
    %dma_start3A_105 = tpu.memref_slice %dma_start3A_102[%dma_start3A_103, %dma_start3A_104] : memref<80x128xi32, #tpu.memory_space<hbm>> -> memref<40x128xi32, #tpu.memory_space<hbm>>
    tpu.enqueue_dma source(%dma_start3A_105 : memref<40x128xi32, #tpu.memory_space<hbm>>) target(%arg7 : memref<40x128xi32, #tpu.memory_space<vmem>>) target_semaphore(%arg12 : memref<!tpu.dma_semaphore, #tpu.memory_space<semaphore_mem>>)
    %dma_wait3A_106 = arith.constant 0 : i32
    %dma_wait3A_107 = arith.constant 0 : i32
    %dma_wait3A_108 = tpu.memref_slice %arg3[%add3A, %dma_wait3A_106, %dma_wait3A_107] : memref<32x80x128xi32, #tpu.memory_space<hbm>> -> memref<1x80x128xi32, #tpu.memory_space<hbm>>
    %dma_wait3A_109 = tpu.memref_squeeze %dma_wait3A_108 : memref<1x80x128xi32, #tpu.memory_space<hbm>> -> memref<80x128xi32, #tpu.memory_space<hbm>>
    %dma_wait3A_110 = arith.constant 40 : i32
    %dma_wait3A_111 = arith.constant 0 : i32
    %dma_wait3A_112 = tpu.memref_slice %dma_wait3A_109[%dma_wait3A_110, %dma_wait3A_111] : memref<80x128xi32, #tpu.memory_space<hbm>> -> memref<40x128xi32, #tpu.memory_space<hbm>>
    %dma_wait3A_113 = arith.constant 0 : i32
    %dma_wait3A_114 = arith.constant 0 : i32
    %dma_wait3A_115 = tpu.memref_slice %arg3[%add3A, %dma_wait3A_113, %dma_wait3A_114] : memref<32x80x128xi32, #tpu.memory_space<hbm>> -> memref<1x80x128xi32, #tpu.memory_space<hbm>>
    %dma_wait3A_116 = tpu.memref_squeeze %dma_wait3A_115 : memref<1x80x128xi32, #tpu.memory_space<hbm>> -> memref<80x128xi32, #tpu.memory_space<hbm>>
    %dma_wait3A_117 = arith.constant 40 : i32
    %dma_wait3A_118 = arith.constant 0 : i32
    %dma_wait3A_119 = tpu.memref_slice %dma_wait3A_116[%dma_wait3A_117, %dma_wait3A_118] : memref<80x128xi32, #tpu.memory_space<hbm>> -> memref<40x128xi32, #tpu.memory_space<hbm>>
    tpu.wait_dma2 semaphore(%arg12 : memref<!tpu.dma_semaphore, #tpu.memory_space<semaphore_mem>>) src(%dma_wait3A_119 : memref<40x128xi32, #tpu.memory_space<hbm>>) dst(%arg7 : memref<40x128xi32, #tpu.memory_space<vmem>>)
    %dma_start3A_120 = arith.constant 0 : i32
    %dma_start3A_121 = arith.constant 0 : i32
    %dma_start3A_122 = tpu.memref_slice %arg4[%add3A, %dma_start3A_120, %dma_start3A_121] : memref<32x80x128xi32, #tpu.memory_space<hbm>> -> memref<1x80x128xi32, #tpu.memory_space<hbm>>
    %dma_start3A_123 = tpu.memref_squeeze %dma_start3A_122 : memref<1x80x128xi32, #tpu.memory_space<hbm>> -> memref<80x128xi32, #tpu.memory_space<hbm>>
    %dma_start3A_124 = arith.constant 40 : i32
    %dma_start3A_125 = arith.constant 0 : i32
    %dma_start3A_126 = tpu.memref_slice %dma_start3A_123[%dma_start3A_124, %dma_start3A_125] : memref<80x128xi32, #tpu.memory_space<hbm>> -> memref<40x128xi32, #tpu.memory_space<hbm>>
    %dma_start3A_127 = arith.constant 0 : i32
    %dma_start3A_128 = arith.constant 0 : i32
    %dma_start3A_129 = tpu.memref_slice %arg4[%add3A, %dma_start3A_127, %dma_start3A_128] : memref<32x80x128xi32, #tpu.memory_space<hbm>> -> memref<1x80x128xi32, #tpu.memory_space<hbm>>
    %dma_start3A_130 = tpu.memref_squeeze %dma_start3A_129 : memref<1x80x128xi32, #tpu.memory_space<hbm>> -> memref<80x128xi32, #tpu.memory_space<hbm>>
    %dma_start3A_131 = arith.constant 40 : i32
    %dma_start3A_132 = arith.constant 0 : i32
    %dma_start3A_133 = tpu.memref_slice %dma_start3A_130[%dma_start3A_131, %dma_start3A_132] : memref<80x128xi32, #tpu.memory_space<hbm>> -> memref<40x128xi32, #tpu.memory_space<hbm>>
    tpu.enqueue_dma source(%dma_start3A_133 : memref<40x128xi32, #tpu.memory_space<hbm>>) target(%arg8 : memref<40x128xi32, #tpu.memory_space<vmem>>) target_semaphore(%arg12 : memref<!tpu.dma_semaphore, #tpu.memory_space<semaphore_mem>>)
    %dma_wait3A_134 = arith.constant 0 : i32
    %dma_wait3A_135 = arith.constant 0 : i32
    %dma_wait3A_136 = tpu.memref_slice %arg4[%add3A, %dma_wait3A_134, %dma_wait3A_135] : memref<32x80x128xi32, #tpu.memory_space<hbm>> -> memref<1x80x128xi32, #tpu.memory_space<hbm>>
    %dma_wait3A_137 = tpu.memref_squeeze %dma_wait3A_136 : memref<1x80x128xi32, #tpu.memory_space<hbm>> -> memref<80x128xi32, #tpu.memory_space<hbm>>
    %dma_wait3A_138 = arith.constant 40 : i32
    %dma_wait3A_139 = arith.constant 0 : i32
    %dma_wait3A_140 = tpu.memref_slice %dma_wait3A_137[%dma_wait3A_138, %dma_wait3A_139] : memref<80x128xi32, #tpu.memory_space<hbm>> -> memref<40x128xi32, #tpu.memory_space<hbm>>
    %dma_wait3A_141 = arith.constant 0 : i32
    %dma_wait3A_142 = arith.constant 0 : i32
    %dma_wait3A_143 = tpu.memref_slice %arg4[%add3A, %dma_wait3A_141, %dma_wait3A_142] : memref<32x80x128xi32, #tpu.memory_space<hbm>> -> memref<1x80x128xi32, #tpu.memory_space<hbm>>
    %dma_wait3A_144 = tpu.memref_squeeze %dma_wait3A_143 : memref<1x80x128xi32, #tpu.memory_space<hbm>> -> memref<80x128xi32, #tpu.memory_space<hbm>>
    %dma_wait3A_145 = arith.constant 40 : i32
    %dma_wait3A_146 = arith.constant 0 : i32
    %dma_wait3A_147 = tpu.memref_slice %dma_wait3A_144[%dma_wait3A_145, %dma_wait3A_146] : memref<80x128xi32, #tpu.memory_space<hbm>> -> memref<40x128xi32, #tpu.memory_space<hbm>>
    tpu.wait_dma2 semaphore(%arg12 : memref<!tpu.dma_semaphore, #tpu.memory_space<semaphore_mem>>) src(%dma_wait3A_147 : memref<40x128xi32, #tpu.memory_space<hbm>>) dst(%arg8 : memref<40x128xi32, #tpu.memory_space<vmem>>)
    %dma_start3A_148 = arith.constant 0 : i32
    %dma_start3A_149 = arith.constant 0 : i32
    %dma_start3A_150 = arith.constant 0 : i32
    %dma_start3A_151 = tpu.memref_slice %arg9[%dma_start3A_149, %dma_start3A_150] : memref<128x128xf32, #tpu.memory_space<vmem>> -> memref<64x128xf32, #tpu.memory_space<vmem>>
    %dma_start3A_152 = arith.constant 0 : i32
    %dma_start3A_153 = tpu.memref_slice %arg7[%dma_start3A_148, %dma_start3A_152] : memref<40x128xi32, #tpu.memory_space<vmem>> -> memref<1x128xi32, #tpu.memory_space<vmem>>
    %dma_start3A_154 = tpu.memref_squeeze %dma_start3A_153 : memref<1x128xi32, #tpu.memory_space<vmem>> -> memref<128xi32, #tpu.memory_space<vmem>>
    %dma_start3A_155 = arith.constant 0 : i32
    %dma_start3A_156 = tpu.memref_slice %dma_start3A_154[%dma_start3A_155] : memref<128xi32, #tpu.memory_space<vmem>> -> memref<64xi32, #tpu.memory_space<vmem>>
    %dma_start3A_157 = arith.constant 0 : i32
    %dma_start3A_158 = arith.constant 0 : i32
    %dma_start3A_159 = tpu.memref_slice %arg2[%dma_start3A_157, %dma_start3A_158] : memref<10000x128xf32, #tpu.memory_space<hbm>> -> memref<10000x128xf32, #tpu.memory_space<hbm>>
    tpu.enqueue_indirect_dma source(%dma_start3A_159 : memref<10000x128xf32, #tpu.memory_space<hbm>>) target(%dma_start3A_151 : memref<64x128xf32, #tpu.memory_space<vmem>>) offsets(%dma_start3A_156 : memref<64xi32, #tpu.memory_space<vmem>>) semaphore(%arg13 : memref<!tpu.dma_semaphore, #tpu.memory_space<semaphore_mem>>)
    %dma_start3A_160 = arith.constant 0 : i32
    %dma_start3A_161 = arith.constant 64 : i32
    %dma_start3A_162 = arith.constant 0 : i32
    %dma_start3A_163 = tpu.memref_slice %arg9[%dma_start3A_161, %dma_start3A_162] : memref<128x128xf32, #tpu.memory_space<vmem>> -> memref<64x128xf32, #tpu.memory_space<vmem>>
    %dma_start3A_164 = arith.constant 0 : i32
    %dma_start3A_165 = tpu.memref_slice %arg7[%dma_start3A_160, %dma_start3A_164] : memref<40x128xi32, #tpu.memory_space<vmem>> -> memref<1x128xi32, #tpu.memory_space<vmem>>
    %dma_start3A_166 = tpu.memref_squeeze %dma_start3A_165 : memref<1x128xi32, #tpu.memory_space<vmem>> -> memref<128xi32, #tpu.memory_space<vmem>>
    %dma_start3A_167 = arith.constant 64 : i32
    %dma_start3A_168 = tpu.memref_slice %dma_start3A_166[%dma_start3A_167] : memref<128xi32, #tpu.memory_space<vmem>> -> memref<64xi32, #tpu.memory_space<vmem>>
    %dma_start3A_169 = arith.constant 0 : i32
    %dma_start3A_170 = arith.constant 0 : i32
    %dma_start3A_171 = tpu.memref_slice %arg2[%dma_start3A_169, %dma_start3A_170] : memref<10000x128xf32, #tpu.memory_space<hbm>> -> memref<10000x128xf32, #tpu.memory_space<hbm>>
    tpu.enqueue_indirect_dma source(%dma_start3A_171 : memref<10000x128xf32, #tpu.memory_space<hbm>>) target(%dma_start3A_163 : memref<64x128xf32, #tpu.memory_space<vmem>>) offsets(%dma_start3A_168 : memref<64xi32, #tpu.memory_space<vmem>>) semaphore(%arg13 : memref<!tpu.dma_semaphore, #tpu.memory_space<semaphore_mem>>)
    %scan3A_172 = arith.constant 0 : i32
    %scan3A_173 = arith.constant 20 : i32
    %scan3A_174 = arith.addi %scan3A_172, %scan3A_173 : i32
    %scan3A_175 = arith.constant 1 : i32
    scf.for %scan3A_185 = %scan3A_172 to %scan3A_174 step %scan3A_175  : i32 {
      %mul3A_186 = arith.constant 1 : i32
      %mul3A_187 = arith.muli %scan3A_185, %mul3A_186 : i32
      %add3A_188 = arith.constant 0 : i32
      %add3A_189 = arith.addi %add3A_188, %mul3A_187 : i32
      %mul3A_190 = arith.constant 2 : i32
      %mul3A_191 = arith.muli %mul3A_190, %add3A_189 : i32
      %dma_wait3A_192 = arith.constant 0 : i32
      %dma_wait3A_193 = arith.constant 0 : i32
      %dma_wait3A_194 = tpu.memref_slice %arg7[%dma_wait3A_192, %dma_wait3A_193] : memref<40x128xi32, #tpu.memory_space<vmem>> -> memref<1x128xi32, #tpu.memory_space<vmem>>
      %dma_wait3A_195 = tpu.memref_squeeze %dma_wait3A_194 : memref<1x128xi32, #tpu.memory_space<vmem>> -> memref<128xi32, #tpu.memory_space<vmem>>
      %dma_wait3A_196 = arith.constant 0 : i32
      %dma_wait3A_197 = arith.constant 0 : i32
      %dma_wait3A_198 = tpu.memref_slice %arg2[%dma_wait3A_196, %dma_wait3A_197] : memref<10000x128xf32, #tpu.memory_space<hbm>> -> memref<10000x128xf32, #tpu.memory_space<hbm>>
      tpu.wait_indirect_dma semaphore(%arg13 : memref<!tpu.dma_semaphore, #tpu.memory_space<semaphore_mem>>) src(%dma_wait3A_198 : memref<10000x128xf32, #tpu.memory_space<hbm>>) dst(%arg9 : memref<128x128xf32, #tpu.memory_space<vmem>>)
      %add3A_199 = arith.constant 1 : i32
      %add3A_200 = arith.addi %mul3A_191, %add3A_199 : i32
      %dma_start3A_201 = arith.constant 0 : i32
      %dma_start3A_202 = arith.constant 0 : i32
      %dma_start3A_203 = tpu.memref_slice %arg10[%dma_start3A_201, %dma_start3A_202] : memref<128x128xf32, #tpu.memory_space<vmem>> -> memref<64x128xf32, #tpu.memory_space<vmem>>
      %dma_start3A_204 = arith.constant 0 : i32
      %dma_start3A_205 = tpu.memref_slice %arg7[%add3A_200, %dma_start3A_204] : memref<40x128xi32, #tpu.memory_space<vmem>> -> memref<1x128xi32, #tpu.memory_space<vmem>>
      %dma_start3A_206 = tpu.memref_squeeze %dma_start3A_205 : memref<1x128xi32, #tpu.memory_space<vmem>> -> memref<128xi32, #tpu.memory_space<vmem>>
      %dma_start3A_207 = arith.constant 0 : i32
      %dma_start3A_208 = tpu.memref_slice %dma_start3A_206[%dma_start3A_207] : memref<128xi32, #tpu.memory_space<vmem>> -> memref<64xi32, #tpu.memory_space<vmem>>
      %dma_start3A_209 = arith.constant 0 : i32
      %dma_start3A_210 = arith.constant 0 : i32
      %dma_start3A_211 = tpu.memref_slice %arg2[%dma_start3A_209, %dma_start3A_210] : memref<10000x128xf32, #tpu.memory_space<hbm>> -> memref<10000x128xf32, #tpu.memory_space<hbm>>
      tpu.enqueue_indirect_dma source(%dma_start3A_211 : memref<10000x128xf32, #tpu.memory_space<hbm>>) target(%dma_start3A_203 : memref<64x128xf32, #tpu.memory_space<vmem>>) offsets(%dma_start3A_208 : memref<64xi32, #tpu.memory_space<vmem>>) semaphore(%arg14 : memref<!tpu.dma_semaphore, #tpu.memory_space<semaphore_mem>>)
      %dma_start3A_212 = arith.constant 64 : i32
      %dma_start3A_213 = arith.constant 0 : i32
      %dma_start3A_214 = tpu.memref_slice %arg10[%dma_start3A_212, %dma_start3A_213] : memref<128x128xf32, #tpu.memory_space<vmem>> -> memref<64x128xf32, #tpu.memory_space<vmem>>
      %dma_start3A_215 = arith.constant 0 : i32
      %dma_start3A_216 = tpu.memref_slice %arg7[%add3A_200, %dma_start3A_215] : memref<40x128xi32, #tpu.memory_space<vmem>> -> memref<1x128xi32, #tpu.memory_space<vmem>>
      %dma_start3A_217 = tpu.memref_squeeze %dma_start3A_216 : memref<1x128xi32, #tpu.memory_space<vmem>> -> memref<128xi32, #tpu.memory_space<vmem>>
      %dma_start3A_218 = arith.constant 64 : i32
      %dma_start3A_219 = tpu.memref_slice %dma_start3A_217[%dma_start3A_218] : memref<128xi32, #tpu.memory_space<vmem>> -> memref<64xi32, #tpu.memory_space<vmem>>
      %dma_start3A_220 = arith.constant 0 : i32
      %dma_start3A_221 = arith.constant 0 : i32
      %dma_start3A_222 = tpu.memref_slice %arg2[%dma_start3A_220, %dma_start3A_221] : memref<10000x128xf32, #tpu.memory_space<hbm>> -> memref<10000x128xf32, #tpu.memory_space<hbm>>
      tpu.enqueue_indirect_dma source(%dma_start3A_222 : memref<10000x128xf32, #tpu.memory_space<hbm>>) target(%dma_start3A_214 : memref<64x128xf32, #tpu.memory_space<vmem>>) offsets(%dma_start3A_219 : memref<64xi32, #tpu.memory_space<vmem>>) semaphore(%arg14 : memref<!tpu.dma_semaphore, #tpu.memory_space<semaphore_mem>>)
      "tpu.region"() ({
        %run_scoped3A = tpu.sem_alloc : memref<!tpu.dma_semaphore, #tpu.memory_space<semaphore_mem>>
        %dma_start3A_259 = arith.constant 0 : i32
        %dma_start3A_260 = tpu.memref_slice %arg8[%mul3A_191, %dma_start3A_259] : memref<40x128xi32, #tpu.memory_space<vmem>> -> memref<1x128xi32, #tpu.memory_space<vmem>>
        %dma_start3A_261 = tpu.memref_squeeze %dma_start3A_260 : memref<1x128xi32, #tpu.memory_space<vmem>> -> memref<128xi32, #tpu.memory_space<vmem>>
        %dma_start3A_262 = arith.constant 0 : i32
        %dma_start3A_263 = arith.constant 0 : i32
        %dma_start3A_264 = tpu.memref_slice %arg11[%dma_start3A_262, %dma_start3A_263] : memref<10240x128xf32, #tpu.memory_space<vmem_shared>> -> memref<10240x128xf32, #tpu.memory_space<vmem_shared>>
        tpu.enqueue_indirect_dma source(%arg9 : memref<128x128xf32, #tpu.memory_space<vmem>>) target(%dma_start3A_264 : memref<10240x128xf32, #tpu.memory_space<vmem_shared>>) offsets(%dma_start3A_261 : memref<128xi32, #tpu.memory_space<vmem>>) semaphore(%run_scoped3A : memref<!tpu.dma_semaphore, #tpu.memory_space<semaphore_mem>>) {add = true}
        %dma_wait3A_265 = arith.constant 0 : i32
        %dma_wait3A_266 = tpu.memref_slice %arg8[%mul3A_191, %dma_wait3A_265] : memref<40x128xi32, #tpu.memory_space<vmem>> -> memref<1x128xi32, #tpu.memory_space<vmem>>
        %dma_wait3A_267 = tpu.memref_squeeze %dma_wait3A_266 : memref<1x128xi32, #tpu.memory_space<vmem>> -> memref<128xi32, #tpu.memory_space<vmem>>
        %dma_wait3A_268 = arith.constant 0 : i32
        %dma_wait3A_269 = arith.constant 0 : i32
        %dma_wait3A_270 = tpu.memref_slice %arg11[%dma_wait3A_268, %dma_wait3A_269] : memref<10240x128xf32, #tpu.memory_space<vmem_shared>> -> memref<10240x128xf32, #tpu.memory_space<vmem_shared>>
        tpu.wait_indirect_dma semaphore(%run_scoped3A : memref<!tpu.dma_semaphore, #tpu.memory_space<semaphore_mem>>) src(%arg9 : memref<128x128xf32, #tpu.memory_space<vmem>>) dst(%dma_wait3A_270 : memref<10240x128xf32, #tpu.memory_space<vmem_shared>>)
        tpu.yield
      }) : () -> ()
      %dma_wait3A_223 = arith.constant 0 : i32
      %dma_wait3A_224 = arith.constant 0 : i32
      %dma_wait3A_225 = tpu.memref_slice %arg7[%dma_wait3A_223, %dma_wait3A_224] : memref<40x128xi32, #tpu.memory_space<vmem>> -> memref<1x128xi32, #tpu.memory_space<vmem>>
      %dma_wait3A_226 = tpu.memref_squeeze %dma_wait3A_225 : memref<1x128xi32, #tpu.memory_space<vmem>> -> memref<128xi32, #tpu.memory_space<vmem>>
      %dma_wait3A_227 = arith.constant 0 : i32
      %dma_wait3A_228 = arith.constant 0 : i32
      %dma_wait3A_229 = tpu.memref_slice %arg2[%dma_wait3A_227, %dma_wait3A_228] : memref<10000x128xf32, #tpu.memory_space<hbm>> -> memref<10000x128xf32, #tpu.memory_space<hbm>>
      tpu.wait_indirect_dma semaphore(%arg14 : memref<!tpu.dma_semaphore, #tpu.memory_space<semaphore_mem>>) src(%dma_wait3A_229 : memref<10000x128xf32, #tpu.memory_space<hbm>>) dst(%arg10 : memref<128x128xf32, #tpu.memory_space<vmem>>)
      %add3A_230 = arith.constant 2 : i32
      %add3A_231 = arith.addi %mul3A_191, %add3A_230 : i32
      %lt3A = arith.constant 40 : i32
      %lt3A_232 = arith.cmpi slt, %add3A_231, %lt3A : i32
      %add3A_233 = arith.constant 2 : i32
      %add3A_234 = arith.addi %mul3A_191, %add3A_233 : i32
      %jit3A = arith.constant 0 : i32
      %select_n3A = arith.select %lt3A_232, %add3A_234, %jit3A : i32
      %dma_start3A_235 = arith.constant 0 : i32
      %dma_start3A_236 = arith.constant 0 : i32
      %dma_start3A_237 = tpu.memref_slice %arg9[%dma_start3A_235, %dma_start3A_236] : memref<128x128xf32, #tpu.memory_space<vmem>> -> memref<64x128xf32, #tpu.memory_space<vmem>>
      %dma_start3A_238 = arith.constant 0 : i32
      %dma_start3A_239 = tpu.memref_slice %arg7[%select_n3A, %dma_start3A_238] : memref<40x128xi32, #tpu.memory_space<vmem>> -> memref<1x128xi32, #tpu.memory_space<vmem>>
      %dma_start3A_240 = tpu.memref_squeeze %dma_start3A_239 : memref<1x128xi32, #tpu.memory_space<vmem>> -> memref<128xi32, #tpu.memory_space<vmem>>
      %dma_start3A_241 = arith.constant 0 : i32
      %dma_start3A_242 = tpu.memref_slice %dma_start3A_240[%dma_start3A_241] : memref<128xi32, #tpu.memory_space<vmem>> -> memref<64xi32, #tpu.memory_space<vmem>>
      %dma_start3A_243 = arith.constant 0 : i32
      %dma_start3A_244 = arith.constant 0 : i32
      %dma_start3A_245 = tpu.memref_slice %arg2[%dma_start3A_243, %dma_start3A_244] : memref<10000x128xf32, #tpu.memory_space<hbm>> -> memref<10000x128xf32, #tpu.memory_space<hbm>>
      tpu.enqueue_indirect_dma source(%dma_start3A_245 : memref<10000x128xf32, #tpu.memory_space<hbm>>) target(%dma_start3A_237 : memref<64x128xf32, #tpu.memory_space<vmem>>) offsets(%dma_start3A_242 : memref<64xi32, #tpu.memory_space<vmem>>) semaphore(%arg13 : memref<!tpu.dma_semaphore, #tpu.memory_space<semaphore_mem>>)
      %dma_start3A_246 = arith.constant 64 : i32
      %dma_start3A_247 = arith.constant 0 : i32
      %dma_start3A_248 = tpu.memref_slice %arg9[%dma_start3A_246, %dma_start3A_247] : memref<128x128xf32, #tpu.memory_space<vmem>> -> memref<64x128xf32, #tpu.memory_space<vmem>>
      %dma_start3A_249 = arith.constant 0 : i32
      %dma_start3A_250 = tpu.memref_slice %arg7[%select_n3A, %dma_start3A_249] : memref<40x128xi32, #tpu.memory_space<vmem>> -> memref<1x128xi32, #tpu.memory_space<vmem>>
      %dma_start3A_251 = tpu.memref_squeeze %dma_start3A_250 : memref<1x128xi32, #tpu.memory_space<vmem>> -> memref<128xi32, #tpu.memory_space<vmem>>
      %dma_start3A_252 = arith.constant 64 : i32
      %dma_start3A_253 = tpu.memref_slice %dma_start3A_251[%dma_start3A_252] : memref<128xi32, #tpu.memory_space<vmem>> -> memref<64xi32, #tpu.memory_space<vmem>>
      %dma_start3A_254 = arith.constant 0 : i32
      %dma_start3A_255 = arith.constant 0 : i32
      %dma_start3A_256 = tpu.memref_slice %arg2[%dma_start3A_254, %dma_start3A_255] : memref<10000x128xf32, #tpu.memory_space<hbm>> -> memref<10000x128xf32, #tpu.memory_space<hbm>>
      tpu.enqueue_indirect_dma source(%dma_start3A_256 : memref<10000x128xf32, #tpu.memory_space<hbm>>) target(%dma_start3A_248 : memref<64x128xf32, #tpu.memory_space<vmem>>) offsets(%dma_start3A_253 : memref<64xi32, #tpu.memory_space<vmem>>) semaphore(%arg13 : memref<!tpu.dma_semaphore, #tpu.memory_space<semaphore_mem>>)
      %add3A_257 = arith.constant 1 : i32
      %add3A_258 = arith.addi %mul3A_191, %add3A_257 : i32
      "tpu.region"() ({
        %run_scoped3A = tpu.sem_alloc : memref<!tpu.dma_semaphore, #tpu.memory_space<semaphore_mem>>
        %dma_start3A_259 = arith.constant 0 : i32
        %dma_start3A_260 = tpu.memref_slice %arg8[%add3A_258, %dma_start3A_259] : memref<40x128xi32, #tpu.memory_space<vmem>> -> memref<1x128xi32, #tpu.memory_space<vmem>>
        %dma_start3A_261 = tpu.memref_squeeze %dma_start3A_260 : memref<1x128xi32, #tpu.memory_space<vmem>> -> memref<128xi32, #tpu.memory_space<vmem>>
        %dma_start3A_262 = arith.constant 0 : i32
        %dma_start3A_263 = arith.constant 0 : i32
        %dma_start3A_264 = tpu.memref_slice %arg11[%dma_start3A_262, %dma_start3A_263] : memref<10240x128xf32, #tpu.memory_space<vmem_shared>> -> memref<10240x128xf32, #tpu.memory_space<vmem_shared>>
        tpu.enqueue_indirect_dma source(%arg10 : memref<128x128xf32, #tpu.memory_space<vmem>>) target(%dma_start3A_264 : memref<10240x128xf32, #tpu.memory_space<vmem_shared>>) offsets(%dma_start3A_261 : memref<128xi32, #tpu.memory_space<vmem>>) semaphore(%run_scoped3A : memref<!tpu.dma_semaphore, #tpu.memory_space<semaphore_mem>>) {add = true}
        %dma_wait3A_265 = arith.constant 0 : i32
        %dma_wait3A_266 = tpu.memref_slice %arg8[%add3A_258, %dma_wait3A_265] : memref<40x128xi32, #tpu.memory_space<vmem>> -> memref<1x128xi32, #tpu.memory_space<vmem>>
        %dma_wait3A_267 = tpu.memref_squeeze %dma_wait3A_266 : memref<1x128xi32, #tpu.memory_space<vmem>> -> memref<128xi32, #tpu.memory_space<vmem>>
        %dma_wait3A_268 = arith.constant 0 : i32
        %dma_wait3A_269 = arith.constant 0 : i32
        %dma_wait3A_270 = tpu.memref_slice %arg11[%dma_wait3A_268, %dma_wait3A_269] : memref<10240x128xf32, #tpu.memory_space<vmem_shared>> -> memref<10240x128xf32, #tpu.memory_space<vmem_shared>>
        tpu.wait_indirect_dma semaphore(%run_scoped3A : memref<!tpu.dma_semaphore, #tpu.memory_space<semaphore_mem>>) src(%arg10 : memref<128x128xf32, #tpu.memory_space<vmem>>) dst(%dma_wait3A_270 : memref<10240x128xf32, #tpu.memory_space<vmem_shared>>)
        tpu.yield
      }) : () -> ()
    }
    %scan3A_176 = arith.constant 20 : i32
    %dma_wait3A_177 = arith.constant 0 : i32
    %dma_wait3A_178 = arith.constant 0 : i32
    %dma_wait3A_179 = tpu.memref_slice %arg7[%dma_wait3A_177, %dma_wait3A_178] : memref<40x128xi32, #tpu.memory_space<vmem>> -> memref<1x128xi32, #tpu.memory_space<vmem>>
    %dma_wait3A_180 = tpu.memref_squeeze %dma_wait3A_179 : memref<1x128xi32, #tpu.memory_space<vmem>> -> memref<128xi32, #tpu.memory_space<vmem>>
    %dma_wait3A_181 = arith.constant 0 : i32
    %dma_wait3A_182 = arith.constant 0 : i32
    %dma_wait3A_183 = tpu.memref_slice %arg2[%dma_wait3A_181, %dma_wait3A_182] : memref<10000x128xf32, #tpu.memory_space<hbm>> -> memref<10000x128xf32, #tpu.memory_space<hbm>>
    tpu.wait_indirect_dma semaphore(%arg13 : memref<!tpu.dma_semaphore, #tpu.memory_space<semaphore_mem>>) src(%dma_wait3A_183 : memref<10000x128xf32, #tpu.memory_space<hbm>>) dst(%arg9 : memref<128x128xf32, #tpu.memory_space<vmem>>)
    %barrier3A_184 = arith.constant 0 : index
    tpu.barrier barrier_id(%barrier3A_184)
    "tpu.region"() ({
      %run_scoped3A = tpu.sem_alloc : memref<!tpu.dma_semaphore, #tpu.memory_space<semaphore_mem>>
      %dma_start3A_185 = arith.constant 0 : i32
      %dma_start3A_186 = arith.constant 0 : i32
      %dma_start3A_187 = tpu.memref_slice %arg6[%arg0, %dma_start3A_185, %dma_start3A_186] : memref<2x10240x128xf32, #tpu.memory_space<hbm>> -> memref<1x10240x128xf32, #tpu.memory_space<hbm>>
      %dma_start3A_188 = tpu.memref_squeeze %dma_start3A_187 : memref<1x10240x128xf32, #tpu.memory_space<hbm>> -> memref<10240x128xf32, #tpu.memory_space<hbm>>
      %dma_start3A_189 = arith.constant 0 : i32
      %dma_start3A_190 = tpu.memref_slice %dma_start3A_188[%mul3A_2, %dma_start3A_189] : memref<10240x128xf32, #tpu.memory_space<hbm>> -> memref<640x128xf32, #tpu.memory_space<hbm>>
      %dma_start3A_191 = arith.constant 0 : i32
      %dma_start3A_192 = tpu.memref_slice %arg11[%mul3A_2, %dma_start3A_191] : memref<10240x128xf32, #tpu.memory_space<vmem_shared>> -> memref<640x128xf32, #tpu.memory_space<vmem_shared>>
      tpu.enqueue_dma source(%dma_start3A_192 : memref<640x128xf32, #tpu.memory_space<vmem_shared>>) target(%dma_start3A_190 : memref<640x128xf32, #tpu.memory_space<hbm>>) target_semaphore(%run_scoped3A : memref<!tpu.dma_semaphore, #tpu.memory_space<semaphore_mem>>)
      %dma_wait3A_193 = arith.constant 0 : i32
      %dma_wait3A_194 = arith.constant 0 : i32
      %dma_wait3A_195 = tpu.memref_slice %arg6[%arg0, %dma_wait3A_193, %dma_wait3A_194] : memref<2x10240x128xf32, #tpu.memory_space<hbm>> -> memref<1x10240x128xf32, #tpu.memory_space<hbm>>
      %dma_wait3A_196 = tpu.memref_squeeze %dma_wait3A_195 : memref<1x10240x128xf32, #tpu.memory_space<hbm>> -> memref<10240x128xf32, #tpu.memory_space<hbm>>
      %dma_wait3A_197 = arith.constant 0 : i32
      %dma_wait3A_198 = tpu.memref_slice %dma_wait3A_196[%mul3A_2, %dma_wait3A_197] : memref<10240x128xf32, #tpu.memory_space<hbm>> -> memref<640x128xf32, #tpu.memory_space<hbm>>
      %dma_wait3A_199 = arith.constant 0 : i32
      %dma_wait3A_200 = tpu.memref_slice %arg11[%mul3A_2, %dma_wait3A_199] : memref<10240x128xf32, #tpu.memory_space<vmem_shared>> -> memref<640x128xf32, #tpu.memory_space<vmem_shared>>
      tpu.wait_dma2 semaphore(%run_scoped3A : memref<!tpu.dma_semaphore, #tpu.memory_space<semaphore_mem>>) src(%dma_wait3A_200 : memref<640x128xf32, #tpu.memory_space<vmem_shared>>) dst(%dma_wait3A_198 : memref<640x128xf32, #tpu.memory_space<hbm>>)
      tpu.yield
    }) : () -> ()
    return
  }
}

module attributes {stable_mosaic.version = 14 : i64} {
  func.func @_matmul_body(%arg0: i32, %arg1: memref<1000x128xf32, #tpu.memory_space<vmem>>, %arg2: memref<128x128xf32, #tpu.memory_space<vmem>>, %arg3: memref<1000x128xf32, #tpu.memory_space<vmem>>) attributes {dimension_semantics = [#tpu.dimension_semantics<arbitrary>], iteration_bounds = array<i64: 10>, scalar_prefetch = 0 : i64, scratch_operands = 0 : i64, tpu.core_type = #tpu.core_type<tc>, window_params = [{transform_indices = @transform_0, window_bounds = array<i64: 1000, 128>}, {pipeline_mode = #tpu.pipeline_mode<synchronous>, transform_indices = @transform_1, window_bounds = array<i64: 128, 128>}, {transform_indices = @transform_2, window_bounds = array<i64: 1000, 128>}]} {
    %get3A = arith.constant 0 : index
    %get3A_0 = arith.constant 0 : index
    %get3A_1 = vector.load %arg1[%get3A, %get3A_0] : memref<1000x128xf32, #tpu.memory_space<vmem>>, vector<1000x128xf32>
    %get3A_2 = arith.constant 0 : index
    %get3A_3 = arith.constant 0 : index
    %get3A_4 = vector.load %arg2[%get3A_2, %get3A_3] : memref<128x128xf32, #tpu.memory_space<vmem>>, vector<128x128xf32>
    %dot_general3A = arith.constant dense<0.000000e+00> : vector<1000x128xf32>
    %dot_general3A_5 = tpu.matmul %get3A_1, %get3A_4, %dot_general3A {dimension_numbers = #tpu.dot_dimension_numbers<[1], [0], [0], [1], [0, 0, 1, 1], [], []>, transpose_lhs_hint = false} : vector<1000x128xf32>, vector<128x128xf32>, vector<1000x128xf32> -> vector<1000x128xf32>
    %swap3A = arith.constant 0 : index
    %swap3A_6 = arith.constant 0 : index
    %swap3A_7 = vector.load %arg3[%swap3A, %swap3A_6] : memref<1000x128xf32, #tpu.memory_space<vmem>>, vector<1000x128xf32>
    tpu.vector_store %arg3[%swap3A, %swap3A_6], %dot_general3A_5 {strides = array<i32>} : memref<1000x128xf32, #tpu.memory_space<vmem>>, vector<1000x128xf32>,
    return
  }
  func.func @transform_0(%arg0: i32) -> (i32, i32) {
    %c0_i32 = arith.constant 0 : i32
    %c0_i32_0 = arith.constant 0 : i32
    return %arg0, %c0_i32 : i32, i32
  }
  func.func @transform_1(%arg0: i32) -> (i32, i32) {
    %c0_i32 = arith.constant 0 : i32
    %c0_i32_0 = arith.constant 0 : i32
    %c0_i32_1 = arith.constant 0 : i32
    return %c0_i32, %c0_i32_0 : i32, i32
  }
  func.func @transform_2(%arg0: i32) -> (i32, i32) {
    %c0_i32 = arith.constant 0 : i32
    %c0_i32_0 = arith.constant 0 : i32
    return %arg0, %c0_i32 : i32, i32
  }
}

module attributes {stable_mosaic.version = 14 : i64} {
  func.func @_scale_body(%arg0: i32, %arg1: memref<1000x128xf32, #tpu.memory_space<vmem>>, %arg2: memref<1000x32xf32, #tpu.memory_space<vmem>>, %arg3: memref<1000x128xf32, #tpu.memory_space<vmem>>) attributes {dimension_semantics = [#tpu.dimension_semantics<arbitrary>], iteration_bounds = array<i64: 10>, scalar_prefetch = 0 : i64, scratch_operands = 0 : i64, tpu.core_type = #tpu.core_type<tc>, window_params = [{transform_indices = @transform_0, window_bounds = array<i64: 1000, 128>}, {transform_indices = @transform_1, window_bounds = array<i64: 1000, 32>}, {transform_indices = @transform_2, window_bounds = array<i64: 1000, 128>}]} {
    %get3A = arith.constant 0 : index
    %get3A_0 = arith.constant 0 : index
    %get3A_1 = vector.load %arg2[%get3A, %get3A_0] : memref<1000x32xf32, #tpu.memory_space<vmem>>, vector<1000x32xf32>
    %reduce_sum3A = arith.constant dense<0.000000e+00> : vector<1000xf32>
    %reduce_sum3A_2 = vector.multi_reduction <add>, %get3A_1, %reduce_sum3A [1] : vector<1000x32xf32> to vector<1000xf32>
    %broadcast_in_dim3A = vector.shape_cast %reduce_sum3A_2 : vector<1000xf32> to vector<1000x1xf32>
    %add3A = arith.constant 1.000000e+00 : f32
    %add3A_3 = vector.broadcast %add3A : f32 to vector<1000x1xf32>
    %add3A_4 = arith.addf %broadcast_in_dim3A, %add3A_3 : vector<1000x1xf32>
    %rsqrt3A = math.rsqrt %add3A_4 : vector<1000x1xf32>
    %get3A_5 = arith.constant 0 : index
    %get3A_6 = arith.constant 0 : index
    %get3A_7 = vector.load %arg1[%get3A_5, %get3A_6] : memref<1000x128xf32, #tpu.memory_space<vmem>>, vector<1000x128xf32>
    %mul3A = vector.broadcast %rsqrt3A : vector<1000x1xf32> to vector<1000x128xf32>
    %mul3A_8 = arith.mulf %get3A_7, %mul3A : vector<1000x128xf32>
    %swap3A = arith.constant 0 : index
    %swap3A_9 = arith.constant 0 : index
    %swap3A_10 = vector.load %arg3[%swap3A, %swap3A_9] : memref<1000x128xf32, #tpu.memory_space<vmem>>, vector<1000x128xf32>
    tpu.vector_store %arg3[%swap3A, %swap3A_9], %mul3A_8 {strides = array<i32>} : memref<1000x128xf32, #tpu.memory_space<vmem>>, vector<1000x128xf32>,
    return
  }
  func.func @transform_0(%arg0: i32) -> (i32, i32) {
    %c0_i32 = arith.constant 0 : i32
    %c0_i32_0 = arith.constant 0 : i32
    return %arg0, %c0_i32 : i32, i32
  }
  func.func @transform_1(%arg0: i32) -> (i32, i32) {
    %c0_i32 = arith.constant 0 : i32
    %c0_i32_0 = arith.constant 0 : i32
    return %arg0, %c0_i32 : i32, i32
  }
  func.func @transform_2(%arg0: i32) -> (i32, i32) {
    %c0_i32 = arith.constant 0 : i32
    %c0_i32_0 = arith.constant 0 : i32
    return %arg0, %c0_i32 : i32, i32
  }
}

module attributes {stable_mosaic.version = 14 : i64} {
  func.func @_mid_body(%arg0: i32, %arg1: memref<2x1000x128xf32, #tpu.memory_space<vmem>>, %arg2: memref<1000x128xf32, #tpu.memory_space<vmem>>, %arg3: memref<1000x32xf32, #tpu.memory_space<vmem>>, %arg4: memref<128xf32, #tpu.memory_space<vmem>>, %arg5: memref<128x128xf32, #tpu.memory_space<vmem>>, %arg6: memref<1000x128xf32, #tpu.memory_space<vmem>>, %arg7: memref<1000x128xf32, #tpu.memory_space<vmem>>) attributes {dimension_semantics = [#tpu.dimension_semantics<arbitrary>], iteration_bounds = array<i64: 10>, scalar_prefetch = 0 : i64, scratch_operands = 0 : i64, tpu.core_type = #tpu.core_type<tc>, window_params = [{transform_indices = @transform_0, window_bounds = array<i64: 2, 1000, 128>}, {transform_indices = @transform_1, window_bounds = array<i64: 1000, 128>}, {transform_indices = @transform_2, window_bounds = array<i64: 1000, 32>}, {pipeline_mode = #tpu.pipeline_mode<synchronous>, transform_indices = @transform_3, window_bounds = array<i64: 128>}, {pipeline_mode = #tpu.pipeline_mode<synchronous>, transform_indices = @transform_4, window_bounds = array<i64: 128, 128>}, {transform_indices = @transform_5, window_bounds = array<i64: 1000, 128>}, {transform_indices = @transform_6, window_bounds = array<i64: 1000, 128>}]} {
    %get3A = arith.constant 0 : index
    %get3A_0 = arith.constant 0 : index
    %get3A_1 = vector.load %arg3[%get3A, %get3A_0] : memref<1000x32xf32, #tpu.memory_space<vmem>>, vector<1000x32xf32>
    %reduce_sum3A = arith.constant dense<0.000000e+00> : vector<1000xf32>
    %reduce_sum3A_2 = vector.multi_reduction <add>, %get3A_1, %reduce_sum3A [1] : vector<1000x32xf32> to vector<1000xf32>
    %broadcast_in_dim3A = vector.shape_cast %reduce_sum3A_2 : vector<1000xf32> to vector<1000x1xf32>
    %add3A = arith.constant 1.000000e+00 : f32
    %add3A_3 = vector.broadcast %add3A : f32 to vector<1000x1xf32>
    %add3A_4 = arith.addf %broadcast_in_dim3A, %add3A_3 : vector<1000x1xf32>
    %rsqrt3A = math.rsqrt %add3A_4 : vector<1000x1xf32>
    %get3A_5 = arith.constant 0 : index
    %get3A_6 = arith.constant 0 : index
    %get3A_7 = arith.constant 0 : index
    %get3A_8 = vector.load %arg1[%get3A_5, %get3A_6, %get3A_7] : memref<2x1000x128xf32, #tpu.memory_space<vmem>>, vector<2x1000x128xf32>
    %slice3A = vector.extract_strided_slice %get3A_8 {offsets = [0, 0, 0], sizes = [1, 1000, 128], strides = [1, 1, 1]} : vector<2x1000x128xf32> to vector<1x1000x128xf32>
    %squeeze3A = vector.shape_cast %slice3A : vector<1x1000x128xf32> to vector<1000x128xf32>
    %slice3A_9 = vector.extract_strided_slice %get3A_8 {offsets = [1, 0, 0], sizes = [1, 1000, 128], strides = [1, 1, 1]} : vector<2x1000x128xf32> to vector<1x1000x128xf32>
    %squeeze3A_10 = vector.shape_cast %slice3A_9 : vector<1x1000x128xf32> to vector<1000x128xf32>
    %add3A_11 = arith.addf %squeeze3A, %squeeze3A_10 : vector<1000x128xf32>
    %get3A_12 = arith.constant 0 : index
    %get3A_13 = arith.constant 0 : index
    %get3A_14 = vector.load %arg2[%get3A_12, %get3A_13] : memref<1000x128xf32, #tpu.memory_space<vmem>>, vector<1000x128xf32>
    %add3A_15 = arith.addf %add3A_11, %get3A_14 : vector<1000x128xf32>
    %mul3A = vector.broadcast %rsqrt3A : vector<1000x1xf32> to vector<1000x128xf32>
    %mul3A_16 = arith.mulf %add3A_15, %mul3A : vector<1000x128xf32>
    %get3A_17 = arith.constant 0 : index
    %get3A_18 = vector.load %arg4[%get3A_17] : memref<128xf32, #tpu.memory_space<vmem>>, vector<128xf32>
    %broadcast_in_dim3A_19 = vector.shape_cast %get3A_18 : vector<128xf32> to vector<1x128xf32>
    %add3A_20 = vector.broadcast %broadcast_in_dim3A_19 : vector<1x128xf32> to vector<1000x128xf32>
    %add3A_21 = arith.addf %mul3A_16, %add3A_20 : vector<1000x128xf32>
    %max3A = arith.constant 0.000000e+00 : f32
    %max3A_22 = vector.broadcast %max3A : f32 to vector<1000x128xf32>
    %max3A_23 = arith.maximumf %add3A_21, %max3A_22 : vector<1000x128xf32>
    %swap3A = arith.constant 0 : index
    %swap3A_24 = arith.constant 0 : index
    %swap3A_25 = vector.load %arg6[%swap3A, %swap3A_24] : memref<1000x128xf32, #tpu.memory_space<vmem>>, vector<1000x128xf32>
    tpu.vector_store %arg6[%swap3A, %swap3A_24], %max3A_23 {strides = array<i32>} : memref<1000x128xf32, #tpu.memory_space<vmem>>, vector<1000x128xf32>,
    %get3A_26 = arith.constant 0 : index
    %get3A_27 = arith.constant 0 : index
    %get3A_28 = vector.load %arg5[%get3A_26, %get3A_27] : memref<128x128xf32, #tpu.memory_space<vmem>>, vector<128x128xf32>
    %dot_general3A = arith.constant dense<0.000000e+00> : vector<1000x128xf32>
    %dot_general3A_29 = tpu.matmul %max3A_23, %get3A_28, %dot_general3A {dimension_numbers = #tpu.dot_dimension_numbers<[1], [0], [0], [1], [0, 0, 1, 1], [], []>, transpose_lhs_hint = false} : vector<1000x128xf32>, vector<128x128xf32>, vector<1000x128xf32> -> vector<1000x128xf32>
    %mul3A_30 = vector.broadcast %rsqrt3A : vector<1000x1xf32> to vector<1000x128xf32>
    %mul3A_31 = arith.mulf %dot_general3A_29, %mul3A_30 : vector<1000x128xf32>
    %swap3A_32 = arith.constant 0 : index
    %swap3A_33 = arith.constant 0 : index
    %swap3A_34 = vector.load %arg7[%swap3A_32, %swap3A_33] : memref<1000x128xf32, #tpu.memory_space<vmem>>, vector<1000x128xf32>
    tpu.vector_store %arg7[%swap3A_32, %swap3A_33], %mul3A_31 {strides = array<i32>} : memref<1000x128xf32, #tpu.memory_space<vmem>>, vector<1000x128xf32>,
    return
  }
  func.func @transform_0(%arg0: i32) -> (i32, i32, i32) {
    %c0_i32 = arith.constant 0 : i32
    %c0_i32_0 = arith.constant 0 : i32
    %c0_i32_1 = arith.constant 0 : i32
    return %c0_i32, %arg0, %c0_i32_0 : i32, i32, i32
  }
  func.func @transform_1(%arg0: i32) -> (i32, i32) {
    %c0_i32 = arith.constant 0 : i32
    %c0_i32_0 = arith.constant 0 : i32
    return %arg0, %c0_i32 : i32, i32
  }
  func.func @transform_2(%arg0: i32) -> (i32, i32) {
    %c0_i32 = arith.constant 0 : i32
    %c0_i32_0 = arith.constant 0 : i32
    return %arg0, %c0_i32 : i32, i32
  }
  func.func @transform_3(%arg0: i32) -> i32 {
    %c0_i32 = arith.constant 0 : i32
    %c0_i32_0 = arith.constant 0 : i32
    return %c0_i32 : i32
  }
  func.func @transform_4(%arg0: i32) -> (i32, i32) {
    %c0_i32 = arith.constant 0 : i32
    %c0_i32_0 = arith.constant 0 : i32
    %c0_i32_1 = arith.constant 0 : i32
    return %c0_i32, %c0_i32_0 : i32, i32
  }
  func.func @transform_5(%arg0: i32) -> (i32, i32) {
    %c0_i32 = arith.constant 0 : i32
    %c0_i32_0 = arith.constant 0 : i32
    return %arg0, %c0_i32 : i32, i32
  }
  func.func @transform_6(%arg0: i32) -> (i32, i32) {
    %c0_i32 = arith.constant 0 : i32
    %c0_i32_0 = arith.constant 0 : i32
    return %arg0, %c0_i32 : i32, i32
  }
}

module attributes {stable_mosaic.version = 14 : i64} {
  func.func @_final_body(%arg0: i32, %arg1: memref<2x1000x128xf32, #tpu.memory_space<vmem>>, %arg2: memref<1000x128xf32, #tpu.memory_space<vmem>>, %arg3: memref<1000x32xf32, #tpu.memory_space<vmem>>, %arg4: memref<128xf32, #tpu.memory_space<vmem>>, %arg5: memref<1000x128xf32, #tpu.memory_space<vmem>>) attributes {dimension_semantics = [#tpu.dimension_semantics<arbitrary>], iteration_bounds = array<i64: 10>, scalar_prefetch = 0 : i64, scratch_operands = 0 : i64, tpu.core_type = #tpu.core_type<tc>, window_params = [{transform_indices = @transform_0, window_bounds = array<i64: 2, 1000, 128>}, {transform_indices = @transform_1, window_bounds = array<i64: 1000, 128>}, {transform_indices = @transform_2, window_bounds = array<i64: 1000, 32>}, {pipeline_mode = #tpu.pipeline_mode<synchronous>, transform_indices = @transform_3, window_bounds = array<i64: 128>}, {transform_indices = @transform_4, window_bounds = array<i64: 1000, 128>}]} {
    %get3A = arith.constant 0 : index
    %get3A_0 = arith.constant 0 : index
    %get3A_1 = vector.load %arg3[%get3A, %get3A_0] : memref<1000x32xf32, #tpu.memory_space<vmem>>, vector<1000x32xf32>
    %reduce_sum3A = arith.constant dense<0.000000e+00> : vector<1000xf32>
    %reduce_sum3A_2 = vector.multi_reduction <add>, %get3A_1, %reduce_sum3A [1] : vector<1000x32xf32> to vector<1000xf32>
    %broadcast_in_dim3A = vector.shape_cast %reduce_sum3A_2 : vector<1000xf32> to vector<1000x1xf32>
    %add3A = arith.constant 1.000000e+00 : f32
    %add3A_3 = vector.broadcast %add3A : f32 to vector<1000x1xf32>
    %add3A_4 = arith.addf %broadcast_in_dim3A, %add3A_3 : vector<1000x1xf32>
    %rsqrt3A = math.rsqrt %add3A_4 : vector<1000x1xf32>
    %get3A_5 = arith.constant 0 : index
    %get3A_6 = arith.constant 0 : index
    %get3A_7 = arith.constant 0 : index
    %get3A_8 = vector.load %arg1[%get3A_5, %get3A_6, %get3A_7] : memref<2x1000x128xf32, #tpu.memory_space<vmem>>, vector<2x1000x128xf32>
    %slice3A = vector.extract_strided_slice %get3A_8 {offsets = [0, 0, 0], sizes = [1, 1000, 128], strides = [1, 1, 1]} : vector<2x1000x128xf32> to vector<1x1000x128xf32>
    %squeeze3A = vector.shape_cast %slice3A : vector<1x1000x128xf32> to vector<1000x128xf32>
    %slice3A_9 = vector.extract_strided_slice %get3A_8 {offsets = [1, 0, 0], sizes = [1, 1000, 128], strides = [1, 1, 1]} : vector<2x1000x128xf32> to vector<1x1000x128xf32>
    %squeeze3A_10 = vector.shape_cast %slice3A_9 : vector<1x1000x128xf32> to vector<1000x128xf32>
    %add3A_11 = arith.addf %squeeze3A, %squeeze3A_10 : vector<1000x128xf32>
    %get3A_12 = arith.constant 0 : index
    %get3A_13 = arith.constant 0 : index
    %get3A_14 = vector.load %arg2[%get3A_12, %get3A_13] : memref<1000x128xf32, #tpu.memory_space<vmem>>, vector<1000x128xf32>
    %add3A_15 = arith.addf %add3A_11, %get3A_14 : vector<1000x128xf32>
    %mul3A = vector.broadcast %rsqrt3A : vector<1000x1xf32> to vector<1000x128xf32>
    %mul3A_16 = arith.mulf %add3A_15, %mul3A : vector<1000x128xf32>
    %get3A_17 = arith.constant 0 : index
    %get3A_18 = vector.load %arg4[%get3A_17] : memref<128xf32, #tpu.memory_space<vmem>>, vector<128xf32>
    %broadcast_in_dim3A_19 = vector.shape_cast %get3A_18 : vector<128xf32> to vector<1x128xf32>
    %add3A_20 = vector.broadcast %broadcast_in_dim3A_19 : vector<1x128xf32> to vector<1000x128xf32>
    %add3A_21 = arith.addf %mul3A_16, %add3A_20 : vector<1000x128xf32>
    %max3A = arith.constant 0.000000e+00 : f32
    %max3A_22 = vector.broadcast %max3A : f32 to vector<1000x128xf32>
    %max3A_23 = arith.maximumf %add3A_21, %max3A_22 : vector<1000x128xf32>
    %swap3A = arith.constant 0 : index
    %swap3A_24 = arith.constant 0 : index
    %swap3A_25 = vector.load %arg5[%swap3A, %swap3A_24] : memref<1000x128xf32, #tpu.memory_space<vmem>>, vector<1000x128xf32>
    tpu.vector_store %arg5[%swap3A, %swap3A_24], %max3A_23 {strides = array<i32>} : memref<1000x128xf32, #tpu.memory_space<vmem>>, vector<1000x128xf32>,
    return
  }
  func.func @transform_0(%arg0: i32) -> (i32, i32, i32) {
    %c0_i32 = arith.constant 0 : i32
    %c0_i32_0 = arith.constant 0 : i32
    %c0_i32_1 = arith.constant 0 : i32
    return %c0_i32, %arg0, %c0_i32_0 : i32, i32, i32
  }
  func.func @transform_1(%arg0: i32) -> (i32, i32) {
    %c0_i32 = arith.constant 0 : i32
    %c0_i32_0 = arith.constant 0 : i32
    return %arg0, %c0_i32 : i32, i32
  }
  func.func @transform_2(%arg0: i32) -> (i32, i32) {
    %c0_i32 = arith.constant 0 : i32
    %c0_i32_0 = arith.constant 0 : i32
    return %arg0, %c0_i32 : i32, i32
  }
  func.func @transform_3(%arg0: i32) -> i32 {
    %c0_i32 = arith.constant 0 : i32
    %c0_i32_0 = arith.constant 0 : i32
    return %c0_i32 : i32
  }
  func.func @transform_4(%arg0: i32) -> (i32, i32) {
    %c0_i32 = arith.constant 0 : i32
    %c0_i32_0 = arith.constant 0 : i32
    return %arg0, %c0_i32 : i32, i32
  }
}

</mosaic_0001>

<sc_bundles>
// kernel: kernel.12.cloned.1.call-start
scs
__scs_entry_jumppad:
0x0: {  	(pc) =	sbr.rel $0x88, $3  }
0x1: {  	(tag) =	ssettag $0x0;
	lr =	simm.s32 $0x1  }
0x2: {  	[smem:$0x3F9B] =	sst lr;
	_ =	strace $0xD0000000  }
0x3: {  	_ = 	snop  }
0x4: {  	_ = 	snop  }
0x5: {  	_ = 	snop  }
0x6: {  	_ = 	snop  }
0x7: {  	_ = 	snop  }
__scs_overlays_trampoline_lowered:
0x8: {  	[smem:$0x3FAA] =	sst s0  }
0x9: {  	[smem:$0x3FAB] =	sst s1  }
0xa: {  	[smem:$0x3FAC] =	sst s2  }
0xb: {  	[smem:$0x3FAD] =	sst s3  }
0xc: {  	[smem:$0x3FAE] =	sst s4  }
0xd: {  	[smem:$0x3FAF] =	sst s5  }
0xe: {  	[smem:$0x3FB0] =	sst s6  }
0xf: {  	[smem:$0x3FB1] =	sst s7  }
0x10: {  	[smem:$0x3FB2] =	sst s8  }
0x11: {  	[smem:$0x3FB3] =	sst s9;
	s0 =	simm.s32 @!p0 $0x0  }
0x12: {  	s1 =	sld [smem:$0x3F99];
	s0 =	simm.s32 @p0 $0x1  }
0x13: {  	[smem:$0x3FB4] =	sst s0;
	s0 =	simm.s32 @!p1 $0x0  }
0x14: {  	s2 =	sld [smem:$0x3F98];
	s0 =	simm.s32 @p1 $0x1  }
0x15: {  	[smem:$0x3FB5] =	sst s0;
	s0 =	simm.s32 @!p2 $0x0  }
0x16: {  	s3 =	sld [smem:$0x3FDB];
	s0 =	simm.s32 @p2 $0x1  }
0x17: {  	s4 =	simm.s32 $0x1BF5;
	[smem:$0x3FB7] =	sst s0  }
0x18: {  	s0 =	sld [smem:$0x3F9A];
	_ =	swait.ge [sflag:s4], $0x0  }
0x19: {  	s7 =	sld [smem:$0x3F9B]  }
0x1a: {  	s8 =	sadd.s32 $0xFFFFE003, lr  }
0x1b: {  	s9 =	sadd.s32 $0xFFFFFEF7, lr;
	s5 =	simm.s32 $0xFFFFFFFF;
	p2 =	slt.u32 s8, $0xFFFFF086  }
0x1c: {  	p1 =	slt.u32 s9, $0xF7A;
	s5 =	simm.s32 @!p2 $0x0  }
0x1d: {  	s5 =	simm.s32 @p1 $0x1;
	p0 =	seq.s32 s7, s2  }
0x1e: {  	s7 =	smul.u32 @!p0 $0xF7A, s2;
	p2 =	seq.s32 @!p0 s5, $0x0  }
0x1f: {  	s9 =	smul.u32 $0xF7A, s1;
	s8 =	simm.s32 @!p0 $0x1BF5;
	p2 =	por !p2, p0  }
0x20: {  	[sflag:s8] =	ssyncset.s32 @!p0 $0xFFFFF086;
	s6 =	sadd.s32 @!p0 s3, s7;
	s7 =	simm.s32 @!p0 $0x108  }
0x21: {  	s3 =	sadd.s32 s3, s9;
	s6 =	sadd.s32 @!p0 $0x88, s6;
	s7 =	simm.s32 @p2 $0x1082  }
0x22: {  	[simem:s7], [sflag:s8] =	dma.local @!p0 [hbm:s6], $0xF7A  }
0x23: {  	s9 =	sor.u32 $0xD0000000, s2;
	s6 =	simm.s32 $0x108;
	_ =	swait.ge @!p0 [sflag:s8], $0x0  }
0x24: {  	s3 =	sadd.s32 $0x88, s3;
	s6 =	simm.s32 @!p1 $0x1082;
	[sflag:s4] =	ssyncset.s32 $0xFFFFF086  }
0x25: {  	[simem:s6], [sflag:s4] =	dma.local [hbm:s3], $0xF7A  }
0x26: {  	[smem:$0x3F9B] =	sst s1;
	(tag) =	ssettag s2;
	_ =	strace s9  }
0x27: {  	s1 =	sld [smem:$0x3FAB]  }
0x28: {  	s2 =	sld [smem:$0x3FAC]  }
0x29: {  	s4 =	sld [smem:$0x3FAE]  }
0x2a: {  	p0 =	seq.s32 s5, $0x0;
	s5 =	sld [smem:$0x3FAF]  }
0x2b: {  	s6 =	sld [smem:$0x3FB0]  }
0x2c: {  	s7 =	sld [smem:$0x3FB1]  }
0x2d: {  	s3 =	simm.s32 $0x108;
	s8 =	sld [smem:$0x3FB2]  }
0x2e: {  	s3 =	simm.s32 @!p0 $0x1082;
	s9 =	sld [smem:$0x3FB3]  }
0x2f: {  	lr =	sadd.s32 s0, s3;
	s0 =	sld [smem:$0x3FAA]  }
0x30: {  	s3 =	sld [smem:$0x3FAD]  }
0x31: {  	[smem:$0x3FB6] =	sst s10  }
0x32: {  	s10 =	sld [smem:$0x3FB4];
	_ =	sdelay $0x3  }
0x33: {  	p0 =	seq.s32 s10, $0x1;
	s10 =	sld [smem:$0x3FB6];
	_ =	sdelay $0x3  }
0x34: {  	[smem:$0x3FB6] =	sst s10  }
0x35: {  	s10 =	sld [smem:$0x3FB5];
	_ =	sdelay $0x3  }
0x36: {  	p1 =	seq.s32 s10, $0x1;
	s10 =	sld [smem:$0x3FB6];
	_ =	sdelay $0x3  }
0x37: {  	[smem:$0x3FB6] =	sst s10  }
0x38: {  	s10 =	sld [smem:$0x3FB7]  }
0x39: {  	_ = 	snop;
	(pc) =	sbr.ind lr, $3  }
0x3a: {  	_ = 	snop  }
0x3b: {  	_ = 	snop  }
0x3c: {  	p2 =	seq.s32 s10, $0x1;
	s10 =	sld [smem:$0x3FB6]  }
0x3d: {  	_ =	shalt  }
0x3e: {  	_ =	shalt  }
0x3f: {  	_ =	shalt  }
0x40: {  	_ =	shalt  }
0x41: {  	_ =	shalt  }
0x42: {  	_ =	shalt  }
0x43: {  	_ =	shalt  }
0x44: {  	_ =	shalt  }
0x45: {  	_ =	shalt  }
0x46: {  	_ =	shalt  }
0x47: {  	_ =	shalt  }
0x48: {  	_ =	shalt  }
0x49: {  	_ =	shalt  }
0x4a: {  	_ =	shalt  }
0x4b: {  	_ =	shalt  }
0x4c: {  	_ =	shalt  }
0x4d: {  	_ =	shalt  }
0x4e: {  	_ =	shalt  }
0x4f: {  	_ =	shalt  }
0x50: {  	_ =	shalt  }
0x51: {  	_ =	shalt  }
0x52: {  	_ =	shalt  }
0x53: {  	_ =	shalt  }
0x54: {  	_ =	shalt  }
0x55: {  	_ =	shalt  }
0x56: {  	_ =	shalt  }
0x57: {  	_ =	shalt  }
0x58: {  	_ =	shalt  }
0x59: {  	_ =	shalt  }
0x5a: {  	_ =	shalt  }
0x5b: {  	_ =	shalt  }
0x5c: {  	_ =	shalt  }
0x5d: {  	_ =	shalt  }
0x5e: {  	_ =	shalt  }
0x5f: {  	_ =	shalt  }
0x60: {  	_ =	shalt  }
0x61: {  	_ =	shalt  }
0x62: {  	_ =	shalt  }
0x63: {  	_ =	shalt  }
0x64: {  	_ =	shalt  }
0x65: {  	_ =	shalt  }
0x66: {  	_ =	shalt  }
0x67: {  	_ =	shalt  }
0x68: {  	_ =	shalt  }
0x69: {  	_ =	shalt  }
0x6a: {  	_ =	shalt  }
0x6b: {  	_ =	shalt  }
0x6c: {  	_ =	shalt  }
0x6d: {  	_ =	shalt  }
0x6e: {  	_ =	shalt  }
0x6f: {  	_ =	shalt  }
0x70: {  	_ =	shalt  }
0x71: {  	_ =	shalt  }
0x72: {  	_ =	shalt  }
0x73: {  	_ =	shalt  }
0x74: {  	_ =	shalt  }
0x75: {  	_ =	shalt  }
0x76: {  	_ =	shalt  }
0x77: {  	_ =	shalt  }
0x78: {  	_ =	shalt  }
0x79: {  	_ =	shalt  }
0x7a: {  	_ =	shalt  }
0x7b: {  	_ =	shalt  }
0x7c: {  	_ =	shalt  }
0x7d: {  	_ =	shalt  }
0x7e: {  	_ =	shalt  }
0x7f: {  	_ =	shalt  }
0x80: {  	_ =	shalt  }
0x81: {  	_ =	shalt  }
0x82: {  	_ =	shalt  }
0x83: {  	_ =	shalt  }
0x84: {  	_ =	shalt  }
0x85: {  	_ =	shalt  }
0x86: {  	_ =	shalt  }
0x87: {  	_ =	shalt  }
.Lfunc_end0:
.L_simem_size_0:
called_computation.1_lowered:
.L_overlay_start_0:
0x88: {  	s2 =	sld [smem:$0x3FD9]  }
0x89: {  	s3 =	sld [smem:$0x3FFE];
	_ =	sdelay $0x1  }
0x8a: {  	s1 =	srdreg.scid  }
0x8b: {  	s0 =	sand.u32 $0x1, s1  }
0x8c: {  	s17 =	sshll.u32 s0, $0xA;
	s2 =	sadd.s32 s3, s2  }
0x8d: {  	s2 =	sadd.s32 s2, s17  }
0x8e: {  	[smem:$0x3FC2] =	sst s2  }
0x8f: {  	_ = 	snop  }
0x90: {  	s2 =	sld [smem:$0x3FD0];
	(tm) =	ssettm $0x1  }
0x91: {  	s18 =	sld [smem:$0x3FFB];
	_ =	sdelay $0x3  }
0x92: {  	_ =	strace s18  }
0x93: {  	s3 =	sld [smem:$0x3FFC];
	_ =	sdelay $0x3  }
0x94: {  	_ =	strace s3  }
0x95: {  	s3 =	sld [smem:$0x3FFD];
	_ =	sdelay $0x3  }
0x96: {  	_ =	strace s3  }
0x97: {  	_ =	strace $0x8FFFFFFF  }
0x98: {  	s19 =	sld [smem:$0x3FDB];
	_ =	sdelay $0x1  }
0x99: {  	s4 =	simm.s32 $_scs_section_size  }
0x9a: {  	s5 =	simm.s32 $_size__tile_overlayer_lowered;
	s6 =	simm.s32 $_tile_overlayer_lowered  }
0x9b: {  	s22 =	simm.s32 $0x1BFF;
	s21 =	sshll.u32 s6, $0x1;
	s3 =	sadd.s32 s4, s19  }
0x9c: {  	s7 =	simm.s32 $0x0;
	s20 =	sshll.u32 s5, $0x1;
	s5 =	sadd.s32 s21, s3  }
0x9d: {  	[timem:s7], [sflag:s22] =	dma.local [hbm:s5], s20  }
0x9e: {  	_ =	swait.ge [sflag:s22], s20  }
0x9f: {  	s4 =	ssub.s32 $0x0, s20;
	[sflag:s22] =	ssyncset.done $0x0  }
0xa0: {  	[sflag:s22] =	ssyncadd.s32 s4;
	_ =	sdelay $0x1  }
0xa1: {  	s23 =	simm.s32 $0x1B8B  }
0xa2: {  	_ =	swait.ge [sflag:s23], $0x1  }
0xa3: {  	[sflag:s23] =	ssyncset.done $0x0  }
0xa4: {  	s25 =	simm.s32 $0x1B8E;
	s24 =	sld [smem:$0x3FFE];
	[sflag:s23] =	ssyncadd.s32 $0xFFFFFFFF  }
0xa5: {  	s26 =	simm.s32 $execute0_lowered;
	[smem:$0x3FD2] =	sst s25  }
0xa6: {  	s5 =	sshll.u32 s26, $0x1;
	_ =	strace $0x80000049;
	[dreg:$0x1] =	wrdreg $0xFFFFFFFF  }
0xa7: {  	s28 =	simm.s32 $_size_execute0_lowered;
	s3 =	sadd.s32 s3, s5;
	[dreg:$0x0] =	wrdreg $0x0  }
0xa8: {  	s5 =	sshll.u32 s28, $0x1;
	[dreg:$0x2] =	wrdreg s3  }
0xa9: {  	[dreg:$0x3] =	wrdreg s5  }
0xaa: {  	[dreg:$0x4] =	wrdreg $0xC0  }
0xab: {  	_ =	task [dreg:s7], $0x5FFFF  }
0xac: {  	[dreg:$0x1] =	wrdreg $0xFFFFFFFF  }
0xad: {  	[dreg:$0x0] =	wrdreg $0x60  }
0xae: {  	[dreg:$0x2] =	wrdreg s2  }
0xaf: {  	[dreg:$0x3] =	wrdreg s24  }
0xb0: {  	[dreg:$0x4] =	wrdreg $0xA8000  }
0xb1: {  	[dreg:$0x5] =	wrdreg $0x9  }
0xb2: {  	_ =	task.clear_ibuf [dreg:s7], $0x6FFFF;
	_ =	strace $0x90000049  }
0xb3: {  	s29 =	simm.s32 $0x9;
	_ =	strace $0x8000004B  }
0xb4: {  	_ =	swait.ge [sflag:s29], $0x1  }
0xb5: {  	[sflag:s29] =	ssyncadd.s32 $0xFFFFFFFF  }
0xb6: {  	_ =	strace $0x9000004B  }
0xb7: {  	_ =	sfence  }
0xb8: {  	s30 =	sld [smem:$0x0];
	_ =	sdelay $0x2  }
0xb9: {  	s31 =	sshll.u32 s1, $0xD;
	s1 =	sshrl.u32 s1, $0x2  }
0xba: {  	s3 =	sand.u32 $0x4000, s31;
	s1 =	sadd.s32 s1, s30  }
0xbb: {  	s0 =	sor.u32 s3, s0;
	s1 =	sshll.u32 s1, $0x11  }
0xbc: {  	s0 =	sor.u32 s1, s0  }
0xbd: {  	s0 =	sadd.s32 $0x8F2B, s0  }
0xbe: {  	[sflag:s0] =	ssyncadd.remote.s32 $0x1  }
0xbf: {  	_ =	sfence.sel $0xFFFF  }
0xc0: {  	[dreg:$0x0] =	wrdreg $0xFFFFFFFF;
	(pc) =	sbr.abs _section_cstart, $3  }
0xc1: {  	[dreg:$0x1] =	wrdreg $0xFFFFFFFF  }
0xc2: {  	_ =	task.clear_ibuf [dreg:s7], $0x2FFFF;
	_ =	strace $0x9FFFFFFF  }
0xc3: {  	(tm) =	ssettm $0x7FFFFFFF  }
tec
execute0_lowered:
.L_overlay_start_1:
0x0: {  	(tag) =	ssettag $0x1  }
0x1: {  	s1 =	rddreg [dreg:$0x0]  }
0x2: {  	s0 =	srdreg.scid;
	s7 =	rddreg [dreg:$0x1]  }
0x3: {  	s3 =	rddreg [dreg:$0x2];
	s4 =	simm.s32 $0x0;
	s13 =	simm.s32 $0x1400  }
0x4: {  	s14 =	simm.s32 $0x40;
	s15 =	simm.s32 $0x2800;
	s16 =	simm.s32 $0x4800  }
0x5: {  	s17 =	simm.s32 $0x2;
	s18 =	simm.s32 $0x6800;
	s19 =	simm.s32 $0x8800  }
0x6: {  	s20 =	simm.s32 $0x80;
	s21 =	simm.s32 $0x3;
	s22 =	simm.s32 $0x1380  }
0x7: {  	s23 =	simm.s32 $0x13C0;
	s6 =	sand.u32 $0x1, s0;
	s0 =	stileid.u32  }
0x8: {  	s28 =	simm.s32 $0x0;
	[smem:$0x7FF] =	sst s4;
	s8 =	smul.u32 $0x28000, s6  }
0x9: {  	s2 =	sshll.u32 s6, $0x4;
	s9 =	smul.u32 $0x50000, s0;
	s6 =	ssub.s32 $0x2, s6  }
0xa: {  	s31 =	sshll.u32 s0, $0x6;
	s25 =	smul.u32 $0x2800, s0;
	s5 =	sor.u32 s0, s2  }
0xb: {  	s2 =	rddreg [dreg:$0x3];
	_ =	strace $0x8000004A;
	s26 =	sshrl.u32 s6, $0x1  }
0xc: {  	s5 =	smul.u32 $0x500, s5;
	s11 =	sadd.s32 s8, s7;
	s29 =	sshrl.u32 s9, $0x2  }
0xd: {  	s30 =	ssub.s32 s6, s26;
	s6 =	sor.u32 $0x1C04, s31;
	s26 =	simm.s32 $0x2780  }
0xe: {  	s12 =	sadd.s32 s29, s3;
	s24 =	sadd.s32 $0x18E00, s11;
	s9 =	smax.u32 s30, $0x1  }
0xf: {  	s11 =	simm.s32 $0x4;
	s10 =	sadd.s32 s5, s7;
	s5 =	sadd.s32 $0x16600, s7  }
0x10: {  	s24 =	sadd.s32 s25, s24;
	s25 =	simm.s32 $0x2700;
	s7 =	sadd.s32 $0xC600, s10  }
0x11: {  	s8 =	sadd.s32 $0x2600, s10;
	s10 =	sshrl.u32 s12, $0x3;
	s12 =	simm.s32 $0x1  }
.LBB2_1:
0x12: {  	[spmem:s10], [sflag:s6] =	dma.local [hbm:s5], $0x2800  }
0x13: {  	_ =	swait.ge [sflag:s11], $0x2800  }
0x14: {  	[sflag:s11] =	ssyncset.done $0x0  }
0x15: {  	[sflag:s11] =	ssyncadd.s32 $0xFFFFD800  }
0x16: {  	[bflag:$0x0] =	sbarrier.arrive $0xFFFF  }
0x17: {  	[tilespmem:s4], [sflag:$0x1] =	stream.linear.gather [hbm4b:s7+s4], $0x1400, $0x38;
	[tilespmem:$0x1E800] =	vst v63  }
0x18: {  	_ =	swait.ge [sflag:s12], $0x1400  }
0x19: {  	[sflag:s12] =	ssyncset.done $0x0  }
0x1a: {  	[sflag:s12] =	ssyncadd.s32 $0xFFFFEC00  }
0x1b: {  	[tilespmem:s13], [sflag:$0x1] =	stream.linear.gather [hbm4b:s8+s4], $0x1400, $0x38;
	[tilespmem:$0x1E800] =	vst v63  }
0x1c: {  	_ =	swait.ge [sflag:s12], $0x1400  }
0x1d: {  	[sflag:s12] =	ssyncset.done $0x0  }
0x1e: {  	[sflag:s12] =	ssyncadd.s32 $0xFFFFEC00  }
0x1f: {  	[tilespmem:s15], [sflag:$0x2] =	stream.indirect.gather [hbm4b:s1+s14], $0x80, s4, s14, $0xb8;
	[tilespmem:$0x1E800] =	vst v63  }
0x20: {  	_ = 	snop  }
0x21: {  	[tilespmem:s16], [sflag:$0x2] =	stream.indirect.gather [hbm4b:s1+s14], $0x80, s14, s14, $0xb8;
	[tilespmem:$0x1E800] =	vst v63  }
0x22: {  	_ =	swait.ge [sflag:s17], $0x4000  }
0x23: {  	[sflag:s17] =	ssyncset.done $0x0  }
0x24: {  	s29 =	simm.s32 $0x80;
	[sflag:s17] =	ssyncadd.s32 $0xFFFFC000  }
0x25: {  	[tilespmem:s18], [sflag:$0x3] =	stream.indirect.gather [hbm4b:s1+s14], $0x80, s29, s14, $0xb8;
	[tilespmem:$0x1E800] =	vst v63  }
0x26: {  	s29 =	simm.s32 $0xC0  }
0x27: {  	[tilespmem:s19], [sflag:$0x3] =	stream.indirect.gather [hbm4b:s1+s14], $0x80, s29, s14, $0xb8;
	[tilespmem:$0x1E800] =	vst v63  }
0x28: {  	s29 =	simm.s32 $0x1400  }
0x29: {  	[spmem:s3] =	stream.indirect.scatter.add.f32 [tilespmem:s15], [sflag:$0x4], $0x80, s29, s20, $0xb8;
	[tilespmem:$0x1E800] =	vst v63  }
0x2a: {  	_ =	swait.ge [sflag:s11], $0x4000  }
0x2b: {  	[sflag:s11] =	ssyncset.done $0x0  }
0x2c: {  	[sflag:s11] =	ssyncadd.s32 $0xFFFFC000  }
0x2d: {  	_ =	swait.ge [sflag:s21], $0x4000  }
0x2e: {  	[sflag:s21] =	ssyncset.done $0x0  }
0x2f: {  	s29 =	simm.s32 $0x100;
	[sflag:s21] =	ssyncadd.s32 $0xFFFFC000  }
0x30: {  	[tilespmem:s15], [sflag:$0x2] =	stream.indirect.gather [hbm4b:s1+s14], $0x80, s29, s14, $0xb8;
	[tilespmem:$0x1E800] =	vst v63  }
0x31: {  	s29 =	simm.s32 $0x140  }
0x32: {  	[tilespmem:s16], [sflag:$0x2] =	stream.indirect.gather [hbm4b:s1+s14], $0x80, s29, s14, $0xb8;
	[tilespmem:$0x1E800] =	vst v63  }
0x33: {  	s29 =	simm.s32 $0x1480  }
0x34: {  	[spmem:s3] =	stream.indirect.scatter.add.f32 [tilespmem:s18], [sflag:$0x4], $0x80, s29, s20, $0xb8;
	[tilespmem:$0x1E800] =	vst v63  }
0x35: {  	_ =	swait.ge [sflag:s11], $0x4000  }
0x36: {  	s29 =	simm.s32 $0x400;
	[sflag:s11] =	ssyncset.done $0x0  }
.LBB2_2:
0x37: {  	p0 =	sne.s32 s29, $0x4800  }
0x38: {  	[sflag:s11] =	ssyncadd.s32 $0xFFFFC000;
	s30 =	smov.u32 s29;
	s29 =	sadd.s32 $0x400, s29  }
0x39: {  	_ = 	snop  }
0x3a: {  	_ =	swait.ge [sflag:s17], $0x4000  }
0x3b: {  	s30 =	sshra.s32 s30, $0x2;
	[sflag:s17] =	ssyncset.done $0x0  }
0x3c: {  	s31 =	sadd.s32 $0x80, s30;
	[sflag:s17] =	ssyncadd.s32 $0xFFFFC000  }
0x3d: {  	[tilespmem:s18], [sflag:$0x3] =	stream.indirect.gather [hbm4b:s1+s14], $0x80, s31, s14, $0xb8;
	[tilespmem:$0x1E800] =	vst v63  }
0x3e: {  	s31 =	sadd.s32 $0xC0, s30  }
0x3f: {  	[tilespmem:s19], [sflag:$0x3] =	stream.indirect.gather [hbm4b:s1+s14], $0x80, s31, s14, $0xb8;
	[tilespmem:$0x1E800] =	vst v63  }
0x40: {  	s31 =	sadd.s32 $0x1400, s30  }
0x41: {  	[spmem:s3] =	stream.indirect.scatter.add.f32 [tilespmem:s15], [sflag:$0x4], $0x80, s31, s20, $0xb8;
	[tilespmem:$0x1E800] =	vst v63  }
0x42: {  	_ =	swait.ge [sflag:s11], $0x4000  }
0x43: {  	[sflag:s11] =	ssyncset.done $0x0  }
0x44: {  	[sflag:s11] =	ssyncadd.s32 $0xFFFFC000  }
0x45: {  	_ =	swait.ge [sflag:s21], $0x4000  }
0x46: {  	[sflag:s21] =	ssyncset.done $0x0  }
0x47: {  	s31 =	sadd.s32 $0x100, s30;
	[sflag:s21] =	ssyncadd.s32 $0xFFFFC000  }
0x48: {  	[tilespmem:s15], [sflag:$0x2] =	stream.indirect.gather [hbm4b:s1+s14], $0x80, s31, s14, $0xb8;
	[tilespmem:$0x1E800] =	vst v63  }
0x49: {  	s31 =	sadd.s32 $0x140, s30  }
0x4a: {  	[tilespmem:s16], [sflag:$0x2] =	stream.indirect.gather [hbm4b:s1+s14], $0x80, s31, s14, $0xb8;
	[tilespmem:$0x1E800] =	vst v63  }
.Ltmp0:
0x4b: {  	_ = 	snop;
	(pc) =	sbr.rel @p0 .LBB2_2-.Ltmp0, $4  }
0x4c: {  	s30 =	sadd.s32 $0x1480, s30  }
0x4d: {  	[spmem:s3] =	stream.indirect.scatter.add.f32 [tilespmem:s18], [sflag:$0x4], $0x80, s30, s20, $0xb8;
	[tilespmem:$0x1E800] =	vst v63  }
0x4e: {  	_ =	swait.ge [sflag:s11], $0x4000  }
0x4f: {  	[sflag:s11] =	ssyncset.done $0x0  }
0x50: {  	[sflag:s11] =	ssyncadd.s32 $0xFFFFC000  }
0x51: {  	_ =	swait.ge [sflag:s17], $0x4000  }
0x52: {  	[sflag:s17] =	ssyncset.done $0x0  }
0x53: {  	[sflag:s17] =	ssyncadd.s32 $0xFFFFC000  }
0x54: {  	[tilespmem:s18], [sflag:$0x3] =	stream.indirect.gather [hbm4b:s1+s14], $0x80, s22, s14, $0xb8;
	[tilespmem:$0x1E800] =	vst v63  }
0x55: {  	_ = 	snop  }
0x56: {  	[tilespmem:s19], [sflag:$0x3] =	stream.indirect.gather [hbm4b:s1+s14], $0x80, s23, s14, $0xb8;
	[tilespmem:$0x1E800] =	vst v63  }
0x57: {  	_ = 	snop  }
0x58: {  	[spmem:s3] =	stream.indirect.scatter.add.f32 [tilespmem:s15], [sflag:$0x4], $0x80, s25, s20, $0xb8;
	[tilespmem:$0x1E800] =	vst v63  }
0x59: {  	_ =	swait.ge [sflag:s11], $0x4000  }
0x5a: {  	[sflag:s11] =	ssyncset.done $0x0  }
0x5b: {  	[sflag:s11] =	ssyncadd.s32 $0xFFFFC000  }
0x5c: {  	_ =	swait.ge [sflag:s21], $0x4000  }
0x5d: {  	[sflag:s21] =	ssyncset.done $0x0  }
0x5e: {  	s29 =	simm.s32 $0x0;
	[sflag:s21] =	ssyncadd.s32 $0xFFFFC000  }
0x5f: {  	[tilespmem:s15], [sflag:$0x2] =	stream.indirect.gather [hbm4b:s1+s14], $0x80, s29, s14, $0xb8;
	[tilespmem:$0x1E800] =	vst v63  }
0x60: {  	_ = 	snop  }
0x61: {  	[tilespmem:s16], [sflag:$0x2] =	stream.indirect.gather [hbm4b:s1+s14], $0x80, s14, s14, $0xb8;
	[tilespmem:$0x1E800] =	vst v63  }
0x62: {  	_ = 	snop  }
0x63: {  	[spmem:s3] =	stream.indirect.scatter.add.f32 [tilespmem:s18], [sflag:$0x4], $0x80, s26, s20, $0xb8;
	[tilespmem:$0x1E800] =	vst v63  }
0x64: {  	_ =	swait.ge [sflag:s11], $0x4000  }
0x65: {  	[sflag:s11] =	ssyncset.done $0x0  }
0x66: {  	[sflag:s11] =	ssyncadd.s32 $0xFFFFC000  }
0x67: {  	_ =	swait.ge [sflag:s17], $0x4000  }
0x68: {  	[sflag:s17] =	ssyncset.done $0x0  }
0x69: {  	s30 =	sadd.s32 $0x280, s7;
	[sflag:s17] =	ssyncadd.s32 $0xFFFFC000  }
0x6a: {  	[tilespmem:s29], [sflag:$0x1] =	stream.linear.gather [hbm4b:s30+s29], $0x1400, $0x38;
	[tilespmem:$0x1E800] =	vst v63  }
0x6b: {  	_ =	swait.ge [sflag:s12], $0x1400  }
0x6c: {  	[sflag:s12] =	ssyncset.done $0x0  }
0x6d: {  	s31 =	sadd.s32 $0x280, s8;
	[sflag:s12] =	ssyncadd.s32 $0xFFFFEC00  }
0x6e: {  	[tilespmem:s13], [sflag:$0x1] =	stream.linear.gather [hbm4b:s31+s29], $0x1400, $0x38;
	[tilespmem:$0x1E800] =	vst v63  }
0x6f: {  	_ =	swait.ge [sflag:s12], $0x1400  }
0x70: {  	[sflag:s12] =	ssyncset.done $0x0  }
0x71: {  	[sflag:s12] =	ssyncadd.s32 $0xFFFFEC00  }
0x72: {  	[tilespmem:s15], [sflag:$0x2] =	stream.indirect.gather [hbm4b:s1+s14], $0x80, s29, s14, $0xb8;
	[tilespmem:$0x1E800] =	vst v63  }
0x73: {  	_ = 	snop  }
0x74: {  	[tilespmem:s16], [sflag:$0x2] =	stream.indirect.gather [hbm4b:s1+s14], $0x80, s14, s14, $0xb8;
	[tilespmem:$0x1E800] =	vst v63  }
0x75: {  	_ =	swait.ge [sflag:s17], $0x4000  }
0x76: {  	[sflag:s17] =	ssyncset.done $0x0  }
0x77: {  	s29 =	simm.s32 $0x80;
	[sflag:s17] =	ssyncadd.s32 $0xFFFFC000  }
0x78: {  	[tilespmem:s18], [sflag:$0x3] =	stream.indirect.gather [hbm4b:s1+s14], $0x80, s29, s14, $0xb8;
	[tilespmem:$0x1E800] =	vst v63  }
0x79: {  	s29 =	simm.s32 $0xC0  }
0x7a: {  	[tilespmem:s19], [sflag:$0x3] =	stream.indirect.gather [hbm4b:s1+s14], $0x80, s29, s14, $0xb8;
	[tilespmem:$0x1E800] =	vst v63  }
0x7b: {  	s29 =	simm.s32 $0x1400  }
0x7c: {  	[spmem:s3] =	stream.indirect.scatter.add.f32 [tilespmem:s15], [sflag:$0x4], $0x80, s29, s20, $0xb8;
	[tilespmem:$0x1E800] =	vst v63  }
0x7d: {  	_ =	swait.ge [sflag:s11], $0x4000  }
0x7e: {  	[sflag:s11] =	ssyncset.done $0x0  }
0x7f: {  	[sflag:s11] =	ssyncadd.s32 $0xFFFFC000  }
0x80: {  	_ =	swait.ge [sflag:s21], $0x4000  }
0x81: {  	[sflag:s21] =	ssyncset.done $0x0  }
0x82: {  	s29 =	simm.s32 $0x100;
	[sflag:s21] =	ssyncadd.s32 $0xFFFFC000  }
0x83: {  	[tilespmem:s15], [sflag:$0x2] =	stream.indirect.gather [hbm4b:s1+s14], $0x80, s29, s14, $0xb8;
	[tilespmem:$0x1E800] =	vst v63  }
0x84: {  	s29 =	simm.s32 $0x140  }
0x85: {  	[tilespmem:s16], [sflag:$0x2] =	stream.indirect.gather [hbm4b:s1+s14], $0x80, s29, s14, $0xb8;
	[tilespmem:$0x1E800] =	vst v63  }
0x86: {  	s29 =	simm.s32 $0x1480  }
0x87: {  	[spmem:s3] =	stream.indirect.scatter.add.f32 [tilespmem:s18], [sflag:$0x4], $0x80, s29, s20, $0xb8;
	[tilespmem:$0x1E800] =	vst v63  }
0x88: {  	_ =	swait.ge [sflag:s11], $0x4000  }
0x89: {  	s29 =	simm.s32 $0x400;
	[sflag:s11] =	ssyncset.done $0x0  }
.LBB2_4:
0x8a: {  	p0 =	sne.s32 s29, $0x4800  }
0x8b: {  	[sflag:s11] =	ssyncadd.s32 $0xFFFFC000;
	s30 =	smov.u32 s29;
	s29 =	sadd.s32 $0x400, s29  }
0x8c: {  	_ = 	snop  }
0x8d: {  	_ =	swait.ge [sflag:s17], $0x4000  }
0x8e: {  	s30 =	sshra.s32 s30, $0x2;
	[sflag:s17] =	ssyncset.done $0x0  }
0x8f: {  	s31 =	sadd.s32 $0x80, s30;
	[sflag:s17] =	ssyncadd.s32 $0xFFFFC000  }
0x90: {  	[tilespmem:s18], [sflag:$0x3] =	stream.indirect.gather [hbm4b:s1+s14], $0x80, s31, s14, $0xb8;
	[tilespmem:$0x1E800] =	vst v63  }
0x91: {  	s31 =	sadd.s32 $0xC0, s30  }
0x92: {  	[tilespmem:s19], [sflag:$0x3] =	stream.indirect.gather [hbm4b:s1+s14], $0x80, s31, s14, $0xb8;
	[tilespmem:$0x1E800] =	vst v63  }
0x93: {  	s31 =	sadd.s32 $0x1400, s30  }
0x94: {  	[spmem:s3] =	stream.indirect.scatter.add.f32 [tilespmem:s15], [sflag:$0x4], $0x80, s31, s20, $0xb8;
	[tilespmem:$0x1E800] =	vst v63  }
0x95: {  	_ =	swait.ge [sflag:s11], $0x4000  }
0x96: {  	[sflag:s11] =	ssyncset.done $0x0  }
0x97: {  	[sflag:s11] =	ssyncadd.s32 $0xFFFFC000  }
0x98: {  	_ =	swait.ge [sflag:s21], $0x4000  }
0x99: {  	[sflag:s21] =	ssyncset.done $0x0  }
0x9a: {  	s31 =	sadd.s32 $0x100, s30;
	[sflag:s21] =	ssyncadd.s32 $0xFFFFC000  }
0x9b: {  	[tilespmem:s15], [sflag:$0x2] =	stream.indirect.gather [hbm4b:s1+s14], $0x80, s31, s14, $0xb8;
	[tilespmem:$0x1E800] =	vst v63  }
0x9c: {  	s31 =	sadd.s32 $0x140, s30  }
0x9d: {  	[tilespmem:s16], [sflag:$0x2] =	stream.indirect.gather [hbm4b:s1+s14], $0x80, s31, s14, $0xb8;
	[tilespmem:$0x1E800] =	vst v63  }
.Ltmp1:
0x9e: {  	_ = 	snop;
	(pc) =	sbr.rel @p0 .LBB2_4-.Ltmp1, $4  }
0x9f: {  	s30 =	sadd.s32 $0x1480, s30  }
0xa0: {  	[spmem:s3] =	stream.indirect.scatter.add.f32 [tilespmem:s18], [sflag:$0x4], $0x80, s30, s20, $0xb8;
	[tilespmem:$0x1E800] =	vst v63  }
0xa1: {  	_ =	swait.ge [sflag:s11], $0x4000  }
0xa2: {  	[sflag:s11] =	ssyncset.done $0x0  }
0xa3: {  	[sflag:s11] =	ssyncadd.s32 $0xFFFFC000  }
0xa4: {  	_ =	swait.ge [sflag:s17], $0x4000  }
0xa5: {  	[sflag:s17] =	ssyncset.done $0x0  }
0xa6: {  	[sflag:s17] =	ssyncadd.s32 $0xFFFFC000  }
0xa7: {  	[tilespmem:s18], [sflag:$0x3] =	stream.indirect.gather [hbm4b:s1+s14], $0x80, s22, s14, $0xb8;
	[tilespmem:$0x1E800] =	vst v63  }
0xa8: {  	_ = 	snop  }
0xa9: {  	[tilespmem:s19], [sflag:$0x3] =	stream.indirect.gather [hbm4b:s1+s14], $0x80, s23, s14, $0xb8;
	[tilespmem:$0x1E800] =	vst v63  }
0xaa: {  	_ = 	snop  }
0xab: {  	[spmem:s3] =	stream.indirect.scatter.add.f32 [tilespmem:s15], [sflag:$0x4], $0x80, s25, s20, $0xb8;
	[tilespmem:$0x1E800] =	vst v63  }
0xac: {  	_ =	swait.ge [sflag:s11], $0x4000  }
0xad: {  	[sflag:s11] =	ssyncset.done $0x0  }
0xae: {  	[sflag:s11] =	ssyncadd.s32 $0xFFFFC000  }
0xaf: {  	_ =	swait.ge [sflag:s21], $0x4000  }
0xb0: {  	[sflag:s21] =	ssyncset.done $0x0  }
0xb1: {  	[sflag:s21] =	ssyncadd.s32 $0xFFFFC000  }
0xb2: {  	[tilespmem:s15], [sflag:$0x2] =	stream.indirect.gather [hbm4b:s1+s14], $0x80, s4, s14, $0xb8;
	[tilespmem:$0x1E800] =	vst v63  }
0xb3: {  	_ = 	snop  }
0xb4: {  	[tilespmem:s16], [sflag:$0x2] =	stream.indirect.gather [hbm4b:s1+s14], $0x80, s14, s14, $0xb8;
	[tilespmem:$0x1E800] =	vst v63  }
0xb5: {  	_ = 	snop  }
0xb6: {  	[spmem:s3] =	stream.indirect.scatter.add.f32 [tilespmem:s18], [sflag:$0x4], $0x80, s26, s20, $0xb8;
	[tilespmem:$0x1E800] =	vst v63  }
0xb7: {  	_ =	swait.ge [sflag:s11], $0x4000  }
0xb8: {  	[sflag:s11] =	ssyncset.done $0x0  }
0xb9: {  	[sflag:s11] =	ssyncadd.s32 $0xFFFFC000  }
0xba: {  	_ =	swait.ge [sflag:s17], $0x4000  }
0xbb: {  	s28 =	sadd.s32 $0x1, s28;
	[sflag:s17] =	ssyncset.done $0x0  }
0xbc: {  	p0 =	sne.s32 s28, s9;
	[sflag:s17] =	ssyncadd.s32 $0xFFFFC000  }
.Ltmp2:
0xbd: {  	[bflag:$0x0] =	sbarrier.arrive $0xFFFF;
	(pc) =	sbr.rel @p0 .LBB2_1-.Ltmp2, $4  }
0xbe: {  	[hbm:s24], [sflag:s6] =	dma.local [spmem:s10], $0x2800  }
0xbf: {  	_ =	swait.ge [sflag:s11], $0x2800  }
0xc0: {  	[sflag:s11] =	ssyncset.done $0x0  }
0xc1: {  	[sflag:s11] =	ssyncadd.s32 $0xFFFFD800  }
0xc2: {  	_ =	sfence.sel $0x180000  }
0xc3: {  	[bflag:$0x0] =	sbarrier.arrive $0xFFFF  }
0xc4: {  	p0 =	sne.s32 s0, $0x0;
	_ =	strace $0x9000004A  }
0xc5: {  	s0 =	sadd.s32 @!p0 $0x100000, s2;
	[bflag:$0x2] =	sbarrier.arrive $0xFFFF  }
0xc6: {  	[sflag:s0] =	ssyncadd.tile.s32 @!p0 $0x1;
	_ =	shalt  }
.Lfunc_end2:
_tile_overlayer_lowered:
.L_overlay_start_2:
0xc7: {  	(tag) =	ssettag $0x2  }
0xc8: {  	s0 =	rddreg [dreg:$0x0];
	s2 =	stileid.u32  }
0xc9: {  	s1 =	rddreg [dreg:$0x1];
	p0 =	sne.s32 s2, $0x0  }
0xca: {  	s3 =	rddreg [dreg:$0x2];
	[bflag:$0x3] =	sbarrier.arrive $0xFFFF;
	s2 =	simm.s32 @!p0 $0x1C04  }
0xcb: {  	[timem:s3], [sflag:s2] =	dma.local @!p0 [hbm:s0], s1  }
0xcc: {  	s0 =	simm.s32 @!p0 $0x4  }
0xcd: {  	_ =	swait.ge @!p0 [sflag:s0], s1  }
0xce: {  	s1 =	ssub.s32 @!p0 $0x0, s1;
	[sflag:s0] =	ssyncset.done @!p0 $0x0  }
0xcf: {  	[sflag:s0] =	ssyncadd.s32 @!p0 s1  }
0xd0: {  	[bflag:$0x3] =	sbarrier.arrive $0xFFFF  }
0xd1: {  	_ =	shalt  }

// kernel: kernel.15.cloned.1.call-start
scs
__scs_entry_jumppad:
0x0: {  	(pc) =	sbr.rel $0x88, $3  }
0x1: {  	(tag) =	ssettag $0x0;
	lr =	simm.s32 $0x1  }
0x2: {  	[smem:$0x3F9B] =	sst lr;
	_ =	strace $0xD0000000  }
0x3: {  	_ = 	snop  }
0x4: {  	_ = 	snop  }
0x5: {  	_ = 	snop  }
0x6: {  	_ = 	snop  }
0x7: {  	_ = 	snop  }
__scs_overlays_trampoline_lowered:
0x8: {  	[smem:$0x3FAA] =	sst s0  }
0x9: {  	[smem:$0x3FAB] =	sst s1  }
0xa: {  	[smem:$0x3FAC] =	sst s2  }
0xb: {  	[smem:$0x3FAD] =	sst s3  }
0xc: {  	[smem:$0x3FAE] =	sst s4  }
0xd: {  	[smem:$0x3FAF] =	sst s5  }
0xe: {  	[smem:$0x3FB0] =	sst s6  }
0xf: {  	[smem:$0x3FB1] =	sst s7  }
0x10: {  	[smem:$0x3FB2] =	sst s8  }
0x11: {  	[smem:$0x3FB3] =	sst s9;
	s0 =	simm.s32 @!p0 $0x0  }
0x12: {  	s1 =	sld [smem:$0x3F99];
	s0 =	simm.s32 @p0 $0x1  }
0x13: {  	[smem:$0x3FB4] =	sst s0;
	s0 =	simm.s32 @!p1 $0x0  }
0x14: {  	s2 =	sld [smem:$0x3F98];
	s0 =	simm.s32 @p1 $0x1  }
0x15: {  	[smem:$0x3FB5] =	sst s0;
	s0 =	simm.s32 @!p2 $0x0  }
0x16: {  	s3 =	sld [smem:$0x3FDB];
	s0 =	simm.s32 @p2 $0x1  }
0x17: {  	s4 =	simm.s32 $0x1BF5;
	[smem:$0x3FB7] =	sst s0  }
0x18: {  	s0 =	sld [smem:$0x3F9A];
	_ =	swait.ge [sflag:s4], $0x0  }
0x19: {  	s7 =	sld [smem:$0x3F9B]  }
0x1a: {  	s8 =	sadd.s32 $0xFFFFE003, lr  }
0x1b: {  	s9 =	sadd.s32 $0xFFFFFEF7, lr;
	s5 =	simm.s32 $0xFFFFFFFF;
	p2 =	slt.u32 s8, $0xFFFFF086  }
0x1c: {  	p1 =	slt.u32 s9, $0xF7A;
	s5 =	simm.s32 @!p2 $0x0  }
0x1d: {  	s5 =	simm.s32 @p1 $0x1;
	p0 =	seq.s32 s7, s2  }
0x1e: {  	s7 =	smul.u32 @!p0 $0xF7A, s2;
	p2 =	seq.s32 @!p0 s5, $0x0  }
0x1f: {  	s9 =	smul.u32 $0xF7A, s1;
	s8 =	simm.s32 @!p0 $0x1BF5;
	p2 =	por !p2, p0  }
0x20: {  	[sflag:s8] =	ssyncset.s32 @!p0 $0xFFFFF086;
	s6 =	sadd.s32 @!p0 s3, s7;
	s7 =	simm.s32 @!p0 $0x108  }
0x21: {  	s3 =	sadd.s32 s3, s9;
	s6 =	sadd.s32 @!p0 $0x88, s6;
	s7 =	simm.s32 @p2 $0x1082  }
0x22: {  	[simem:s7], [sflag:s8] =	dma.local @!p0 [hbm:s6], $0xF7A  }
0x23: {  	s9 =	sor.u32 $0xD0000000, s2;
	s6 =	simm.s32 $0x108;
	_ =	swait.ge @!p0 [sflag:s8], $0x0  }
0x24: {  	s3 =	sadd.s32 $0x88, s3;
	s6 =	simm.s32 @!p1 $0x1082;
	[sflag:s4] =	ssyncset.s32 $0xFFFFF086  }
0x25: {  	[simem:s6], [sflag:s4] =	dma.local [hbm:s3], $0xF7A  }
0x26: {  	[smem:$0x3F9B] =	sst s1;
	(tag) =	ssettag s2;
	_ =	strace s9  }
0x27: {  	s1 =	sld [smem:$0x3FAB]  }
0x28: {  	s2 =	sld [smem:$0x3FAC]  }
0x29: {  	s4 =	sld [smem:$0x3FAE]  }
0x2a: {  	p0 =	seq.s32 s5, $0x0;
	s5 =	sld [smem:$0x3FAF]  }
0x2b: {  	s6 =	sld [smem:$0x3FB0]  }
0x2c: {  	s7 =	sld [smem:$0x3FB1]  }
0x2d: {  	s3 =	simm.s32 $0x108;
	s8 =	sld [smem:$0x3FB2]  }
0x2e: {  	s3 =	simm.s32 @!p0 $0x1082;
	s9 =	sld [smem:$0x3FB3]  }
0x2f: {  	lr =	sadd.s32 s0, s3;
	s0 =	sld [smem:$0x3FAA]  }
0x30: {  	s3 =	sld [smem:$0x3FAD]  }
0x31: {  	[smem:$0x3FB6] =	sst s10  }
0x32: {  	s10 =	sld [smem:$0x3FB4];
	_ =	sdelay $0x3  }
0x33: {  	p0 =	seq.s32 s10, $0x1;
	s10 =	sld [smem:$0x3FB6];
	_ =	sdelay $0x3  }
0x34: {  	[smem:$0x3FB6] =	sst s10  }
0x35: {  	s10 =	sld [smem:$0x3FB5];
	_ =	sdelay $0x3  }
0x36: {  	p1 =	seq.s32 s10, $0x1;
	s10 =	sld [smem:$0x3FB6];
	_ =	sdelay $0x3  }
0x37: {  	[smem:$0x3FB6] =	sst s10  }
0x38: {  	s10 =	sld [smem:$0x3FB7]  }
0x39: {  	_ = 	snop;
	(pc) =	sbr.ind lr, $3  }
0x3a: {  	_ = 	snop  }
0x3b: {  	_ = 	snop  }
0x3c: {  	p2 =	seq.s32 s10, $0x1;
	s10 =	sld [smem:$0x3FB6]  }
0x3d: {  	_ =	shalt  }
0x3e: {  	_ =	shalt  }
0x3f: {  	_ =	shalt  }
0x40: {  	_ =	shalt  }
0x41: {  	_ =	shalt  }
0x42: {  	_ =	shalt  }
0x43: {  	_ =	shalt  }
0x44: {  	_ =	shalt  }
0x45: {  	_ =	shalt  }
0x46: {  	_ =	shalt  }
0x47: {  	_ =	shalt  }
0x48: {  	_ =	shalt  }
0x49: {  	_ =	shalt  }
0x4a: {  	_ =	shalt  }
0x4b: {  	_ =	shalt  }
0x4c: {  	_ =	shalt  }
0x4d: {  	_ =	shalt  }
0x4e: {  	_ =	shalt  }
0x4f: {  	_ =	shalt  }
0x50: {  	_ =	shalt  }
0x51: {  	_ =	shalt  }
0x52: {  	_ =	shalt  }
0x53: {  	_ =	shalt  }
0x54: {  	_ =	shalt  }
0x55: {  	_ =	shalt  }
0x56: {  	_ =	shalt  }
0x57: {  	_ =	shalt  }
0x58: {  	_ =	shalt  }
0x59: {  	_ =	shalt  }
0x5a: {  	_ =	shalt  }
0x5b: {  	_ =	shalt  }
0x5c: {  	_ =	shalt  }
0x5d: {  	_ =	shalt  }
0x5e: {  	_ =	shalt  }
0x5f: {  	_ =	shalt  }
0x60: {  	_ =	shalt  }
0x61: {  	_ =	shalt  }
0x62: {  	_ =	shalt  }
0x63: {  	_ =	shalt  }
0x64: {  	_ =	shalt  }
0x65: {  	_ =	shalt  }
0x66: {  	_ =	shalt  }
0x67: {  	_ =	shalt  }
0x68: {  	_ =	shalt  }
0x69: {  	_ =	shalt  }
0x6a: {  	_ =	shalt  }
0x6b: {  	_ =	shalt  }
0x6c: {  	_ =	shalt  }
0x6d: {  	_ =	shalt  }
0x6e: {  	_ =	shalt  }
0x6f: {  	_ =	shalt  }
0x70: {  	_ =	shalt  }
0x71: {  	_ =	shalt  }
0x72: {  	_ =	shalt  }
0x73: {  	_ =	shalt  }
0x74: {  	_ =	shalt  }
0x75: {  	_ =	shalt  }
0x76: {  	_ =	shalt  }
0x77: {  	_ =	shalt  }
0x78: {  	_ =	shalt  }
0x79: {  	_ =	shalt  }
0x7a: {  	_ =	shalt  }
0x7b: {  	_ =	shalt  }
0x7c: {  	_ =	shalt  }
0x7d: {  	_ =	shalt  }
0x7e: {  	_ =	shalt  }
0x7f: {  	_ =	shalt  }
0x80: {  	_ =	shalt  }
0x81: {  	_ =	shalt  }
0x82: {  	_ =	shalt  }
0x83: {  	_ =	shalt  }
0x84: {  	_ =	shalt  }
0x85: {  	_ =	shalt  }
0x86: {  	_ =	shalt  }
0x87: {  	_ =	shalt  }
.Lfunc_end0:
.L_simem_size_0:
called_computation.2_lowered:
.L_overlay_start_0:
0x88: {  	s2 =	sld [smem:$0x3FD9]  }
0x89: {  	s3 =	sld [smem:$0x3FFE];
	_ =	sdelay $0x1  }
0x8a: {  	s1 =	srdreg.scid  }
0x8b: {  	s0 =	sand.u32 $0x1, s1  }
0x8c: {  	s17 =	sshll.u32 s0, $0xA;
	s2 =	sadd.s32 s3, s2  }
0x8d: {  	s2 =	sadd.s32 s2, s17  }
0x8e: {  	[smem:$0x3FC2] =	sst s2  }
0x8f: {  	_ = 	snop  }
0x90: {  	s2 =	sld [smem:$0x3FD0];
	(tm) =	ssettm $0x1  }
0x91: {  	s18 =	sld [smem:$0x3FFB];
	_ =	sdelay $0x3  }
0x92: {  	_ =	strace s18  }
0x93: {  	s3 =	sld [smem:$0x3FFC];
	_ =	sdelay $0x3  }
0x94: {  	_ =	strace s3  }
0x95: {  	s3 =	sld [smem:$0x3FFD];
	_ =	sdelay $0x3  }
0x96: {  	_ =	strace s3  }
0x97: {  	_ =	strace $0x8FFFFFFF  }
0x98: {  	s19 =	sld [smem:$0x3FDB];
	_ =	sdelay $0x1  }
0x99: {  	s4 =	simm.s32 $_scs_section_size  }
0x9a: {  	s5 =	simm.s32 $_size__tile_overlayer_lowered;
	s6 =	simm.s32 $_tile_overlayer_lowered  }
0x9b: {  	s22 =	simm.s32 $0x1BFF;
	s21 =	sshll.u32 s6, $0x1;
	s3 =	sadd.s32 s4, s19  }
0x9c: {  	s7 =	simm.s32 $0x0;
	s20 =	sshll.u32 s5, $0x1;
	s5 =	sadd.s32 s21, s3  }
0x9d: {  	[timem:s7], [sflag:s22] =	dma.local [hbm:s5], s20  }
0x9e: {  	_ =	swait.ge [sflag:s22], s20  }
0x9f: {  	s4 =	ssub.s32 $0x0, s20;
	[sflag:s22] =	ssyncset.done $0x0  }
0xa0: {  	[sflag:s22] =	ssyncadd.s32 s4;
	_ =	sdelay $0x1  }
0xa1: {  	s23 =	simm.s32 $0x1B8B  }
0xa2: {  	_ =	swait.ge [sflag:s23], $0x1  }
0xa3: {  	[sflag:s23] =	ssyncset.done $0x0  }
0xa4: {  	s25 =	simm.s32 $0x1B8E;
	s24 =	sld [smem:$0x3FFE];
	[sflag:s23] =	ssyncadd.s32 $0xFFFFFFFF  }
0xa5: {  	s26 =	simm.s32 $execute0_lowered;
	[smem:$0x3FD2] =	sst s25  }
0xa6: {  	s5 =	sshll.u32 s26, $0x1;
	_ =	strace $0x8000004C;
	[dreg:$0x1] =	wrdreg $0xFFFFFFFF  }
0xa7: {  	s28 =	simm.s32 $_size_execute0_lowered;
	s3 =	sadd.s32 s3, s5;
	[dreg:$0x0] =	wrdreg $0x0  }
0xa8: {  	s5 =	sshll.u32 s28, $0x1;
	[dreg:$0x2] =	wrdreg s3  }
0xa9: {  	[dreg:$0x3] =	wrdreg s5  }
0xaa: {  	[dreg:$0x4] =	wrdreg $0xC0  }
0xab: {  	_ =	task [dreg:s7], $0x5FFFF  }
0xac: {  	[dreg:$0x1] =	wrdreg $0xFFFFFFFF  }
0xad: {  	[dreg:$0x0] =	wrdreg $0x60  }
0xae: {  	[dreg:$0x2] =	wrdreg s2  }
0xaf: {  	[dreg:$0x3] =	wrdreg s24  }
0xb0: {  	[dreg:$0x4] =	wrdreg $0xA8000  }
0xb1: {  	[dreg:$0x5] =	wrdreg $0x9  }
0xb2: {  	_ =	task.clear_ibuf [dreg:s7], $0x6FFFF;
	_ =	strace $0x9000004C  }
0xb3: {  	s29 =	simm.s32 $0x9;
	_ =	strace $0x8000004E  }
0xb4: {  	_ =	swait.ge [sflag:s29], $0x1  }
0xb5: {  	[sflag:s29] =	ssyncadd.s32 $0xFFFFFFFF  }
0xb6: {  	_ =	strace $0x9000004E  }
0xb7: {  	_ =	sfence  }
0xb8: {  	s30 =	sld [smem:$0x0];
	_ =	sdelay $0x2  }
0xb9: {  	s31 =	sshll.u32 s1, $0xD;
	s1 =	sshrl.u32 s1, $0x2  }
0xba: {  	s3 =	sand.u32 $0x4000, s31;
	s1 =	sadd.s32 s1, s30  }
0xbb: {  	s0 =	sor.u32 s3, s0;
	s1 =	sshll.u32 s1, $0x11  }
0xbc: {  	s0 =	sor.u32 s1, s0  }
0xbd: {  	s0 =	sadd.s32 $0x8F2B, s0  }
0xbe: {  	[sflag:s0] =	ssyncadd.remote.s32 $0x1  }
0xbf: {  	_ =	sfence.sel $0xFFFF  }
0xc0: {  	[dreg:$0x0] =	wrdreg $0xFFFFFFFF;
	(pc) =	sbr.abs _section_cstart, $3  }
0xc1: {  	[dreg:$0x1] =	wrdreg $0xFFFFFFFF  }
0xc2: {  	_ =	task.clear_ibuf [dreg:s7], $0x2FFFF;
	_ =	strace $0x9FFFFFFF  }
0xc3: {  	(tm) =	ssettm $0x7FFFFFFF  }
tec
execute0_lowered:
.L_overlay_start_1:
0x0: {  	(tag) =	ssettag $0x1  }
0x1: {  	s1 =	rddreg [dreg:$0x0]  }
0x2: {  	s0 =	srdreg.scid;
	s7 =	rddreg [dreg:$0x1]  }
0x3: {  	s3 =	rddreg [dreg:$0x2];
	s4 =	simm.s32 $0x0;
	s13 =	simm.s32 $0x1400  }
0x4: {  	s14 =	simm.s32 $0x40;
	s15 =	simm.s32 $0x2800;
	s16 =	simm.s32 $0x4800  }
0x5: {  	s17 =	simm.s32 $0x2;
	s18 =	simm.s32 $0x6800;
	s19 =	simm.s32 $0x8800  }
0x6: {  	s20 =	simm.s32 $0x80;
	s21 =	simm.s32 $0x3;
	s22 =	simm.s32 $0x1380  }
0x7: {  	s23 =	simm.s32 $0x13C0;
	s6 =	sand.u32 $0x1, s0;
	s0 =	stileid.u32  }
0x8: {  	s28 =	simm.s32 $0x0;
	[smem:$0x7FF] =	sst s4;
	s8 =	smul.u32 $0x28000, s6  }
0x9: {  	s2 =	sshll.u32 s6, $0x4;
	s9 =	smul.u32 $0x50000, s0;
	s6 =	ssub.s32 $0x2, s6  }
0xa: {  	s31 =	sshll.u32 s0, $0x6;
	s25 =	smul.u32 $0x2800, s0;
	s5 =	sor.u32 s0, s2  }
0xb: {  	s2 =	rddreg [dreg:$0x3];
	_ =	strace $0x8000004D;
	s26 =	sshrl.u32 s6, $0x1  }
0xc: {  	s5 =	smul.u32 $0x500, s5;
	s11 =	sadd.s32 s8, s7;
	s29 =	sshrl.u32 s9, $0x2  }
0xd: {  	s30 =	ssub.s32 s6, s26;
	s6 =	sor.u32 $0x1C04, s31;
	s26 =	simm.s32 $0x2780  }
0xe: {  	s12 =	sadd.s32 s29, s3;
	s24 =	sadd.s32 $0x18E00, s11;
	s9 =	smax.u32 s30, $0x1  }
0xf: {  	s11 =	simm.s32 $0x4;
	s10 =	sadd.s32 s5, s7;
	s5 =	sadd.s32 $0x16600, s7  }
0x10: {  	s24 =	sadd.s32 s25, s24;
	s25 =	simm.s32 $0x2700;
	s7 =	sadd.s32 $0xC600, s10  }
0x11: {  	s8 =	sadd.s32 $0x2600, s10;
	s10 =	sshrl.u32 s12, $0x3;
	s12 =	simm.s32 $0x1  }
.LBB2_1:
0x12: {  	[spmem:s10], [sflag:s6] =	dma.local [hbm:s5], $0x2800  }
0x13: {  	_ =	swait.ge [sflag:s11], $0x2800  }
0x14: {  	[sflag:s11] =	ssyncset.done $0x0  }
0x15: {  	[sflag:s11] =	ssyncadd.s32 $0xFFFFD800  }
0x16: {  	[bflag:$0x0] =	sbarrier.arrive $0xFFFF  }
0x17: {  	[tilespmem:s4], [sflag:$0x1] =	stream.linear.gather [hbm4b:s7+s4], $0x1400, $0x38;
	[tilespmem:$0x1E800] =	vst v63  }
0x18: {  	_ =	swait.ge [sflag:s12], $0x1400  }
0x19: {  	[sflag:s12] =	ssyncset.done $0x0  }
0x1a: {  	[sflag:s12] =	ssyncadd.s32 $0xFFFFEC00  }
0x1b: {  	[tilespmem:s13], [sflag:$0x1] =	stream.linear.gather [hbm4b:s8+s4], $0x1400, $0x38;
	[tilespmem:$0x1E800] =	vst v63  }
0x1c: {  	_ =	swait.ge [sflag:s12], $0x1400  }
0x1d: {  	[sflag:s12] =	ssyncset.done $0x0  }
0x1e: {  	[sflag:s12] =	ssyncadd.s32 $0xFFFFEC00  }
0x1f: {  	[tilespmem:s15], [sflag:$0x2] =	stream.indirect.gather [hbm4b:s1+s14], $0x80, s4, s14, $0xb8;
	[tilespmem:$0x1E800] =	vst v63  }
0x20: {  	_ = 	snop  }
0x21: {  	[tilespmem:s16], [sflag:$0x2] =	stream.indirect.gather [hbm4b:s1+s14], $0x80, s14, s14, $0xb8;
	[tilespmem:$0x1E800] =	vst v63  }
0x22: {  	_ =	swait.ge [sflag:s17], $0x4000  }
0x23: {  	[sflag:s17] =	ssyncset.done $0x0  }
0x24: {  	s29 =	simm.s32 $0x80;
	[sflag:s17] =	ssyncadd.s32 $0xFFFFC000  }
0x25: {  	[tilespmem:s18], [sflag:$0x3] =	stream.indirect.gather [hbm4b:s1+s14], $0x80, s29, s14, $0xb8;
	[tilespmem:$0x1E800] =	vst v63  }
0x26: {  	s29 =	simm.s32 $0xC0  }
0x27: {  	[tilespmem:s19], [sflag:$0x3] =	stream.indirect.gather [hbm4b:s1+s14], $0x80, s29, s14, $0xb8;
	[tilespmem:$0x1E800] =	vst v63  }
0x28: {  	s29 =	simm.s32 $0x1400  }
0x29: {  	[spmem:s3] =	stream.indirect.scatter.add.f32 [tilespmem:s15], [sflag:$0x4], $0x80, s29, s20, $0xb8;
	[tilespmem:$0x1E800] =	vst v63  }
0x2a: {  	_ =	swait.ge [sflag:s11], $0x4000  }
0x2b: {  	[sflag:s11] =	ssyncset.done $0x0  }
0x2c: {  	[sflag:s11] =	ssyncadd.s32 $0xFFFFC000  }
0x2d: {  	_ =	swait.ge [sflag:s21], $0x4000  }
0x2e: {  	[sflag:s21] =	ssyncset.done $0x0  }
0x2f: {  	s29 =	simm.s32 $0x100;
	[sflag:s21] =	ssyncadd.s32 $0xFFFFC000  }
0x30: {  	[tilespmem:s15], [sflag:$0x2] =	stream.indirect.gather [hbm4b:s1+s14], $0x80, s29, s14, $0xb8;
	[tilespmem:$0x1E800] =	vst v63  }
0x31: {  	s29 =	simm.s32 $0x140  }
0x32: {  	[tilespmem:s16], [sflag:$0x2] =	stream.indirect.gather [hbm4b:s1+s14], $0x80, s29, s14, $0xb8;
	[tilespmem:$0x1E800] =	vst v63  }
0x33: {  	s29 =	simm.s32 $0x1480  }
0x34: {  	[spmem:s3] =	stream.indirect.scatter.add.f32 [tilespmem:s18], [sflag:$0x4], $0x80, s29, s20, $0xb8;
	[tilespmem:$0x1E800] =	vst v63  }
0x35: {  	_ =	swait.ge [sflag:s11], $0x4000  }
0x36: {  	s29 =	simm.s32 $0x400;
	[sflag:s11] =	ssyncset.done $0x0  }
.LBB2_2:
0x37: {  	p0 =	sne.s32 s29, $0x4800  }
0x38: {  	[sflag:s11] =	ssyncadd.s32 $0xFFFFC000;
	s30 =	smov.u32 s29;
	s29 =	sadd.s32 $0x400, s29  }
0x39: {  	_ = 	snop  }
0x3a: {  	_ =	swait.ge [sflag:s17], $0x4000  }
0x3b: {  	s30 =	sshra.s32 s30, $0x2;
	[sflag:s17] =	ssyncset.done $0x0  }
0x3c: {  	s31 =	sadd.s32 $0x80, s30;
	[sflag:s17] =	ssyncadd.s32 $0xFFFFC000  }
0x3d: {  	[tilespmem:s18], [sflag:$0x3] =	stream.indirect.gather [hbm4b:s1+s14], $0x80, s31, s14, $0xb8;
	[tilespmem:$0x1E800] =	vst v63  }
0x3e: {  	s31 =	sadd.s32 $0xC0, s30  }
0x3f: {  	[tilespmem:s19], [sflag:$0x3] =	stream.indirect.gather [hbm4b:s1+s14], $0x80, s31, s14, $0xb8;
	[tilespmem:$0x1E800] =	vst v63  }
0x40: {  	s31 =	sadd.s32 $0x1400, s30  }
0x41: {  	[spmem:s3] =	stream.indirect.scatter.add.f32 [tilespmem:s15], [sflag:$0x4], $0x80, s31, s20, $0xb8;
	[tilespmem:$0x1E800] =	vst v63  }
0x42: {  	_ =	swait.ge [sflag:s11], $0x4000  }
0x43: {  	[sflag:s11] =	ssyncset.done $0x0  }
0x44: {  	[sflag:s11] =	ssyncadd.s32 $0xFFFFC000  }
0x45: {  	_ =	swait.ge [sflag:s21], $0x4000  }
0x46: {  	[sflag:s21] =	ssyncset.done $0x0  }
0x47: {  	s31 =	sadd.s32 $0x100, s30;
	[sflag:s21] =	ssyncadd.s32 $0xFFFFC000  }
0x48: {  	[tilespmem:s15], [sflag:$0x2] =	stream.indirect.gather [hbm4b:s1+s14], $0x80, s31, s14, $0xb8;
	[tilespmem:$0x1E800] =	vst v63  }
0x49: {  	s31 =	sadd.s32 $0x140, s30  }
0x4a: {  	[tilespmem:s16], [sflag:$0x2] =	stream.indirect.gather [hbm4b:s1+s14], $0x80, s31, s14, $0xb8;
	[tilespmem:$0x1E800] =	vst v63  }
.Ltmp0:
0x4b: {  	_ = 	snop;
	(pc) =	sbr.rel @p0 .LBB2_2-.Ltmp0, $4  }
0x4c: {  	s30 =	sadd.s32 $0x1480, s30  }
0x4d: {  	[spmem:s3] =	stream.indirect.scatter.add.f32 [tilespmem:s18], [sflag:$0x4], $0x80, s30, s20, $0xb8;
	[tilespmem:$0x1E800] =	vst v63  }
0x4e: {  	_ =	swait.ge [sflag:s11], $0x4000  }
0x4f: {  	[sflag:s11] =	ssyncset.done $0x0  }
0x50: {  	[sflag:s11] =	ssyncadd.s32 $0xFFFFC000  }
0x51: {  	_ =	swait.ge [sflag:s17], $0x4000  }
0x52: {  	[sflag:s17] =	ssyncset.done $0x0  }
0x53: {  	[sflag:s17] =	ssyncadd.s32 $0xFFFFC000  }
0x54: {  	[tilespmem:s18], [sflag:$0x3] =	stream.indirect.gather [hbm4b:s1+s14], $0x80, s22, s14, $0xb8;
	[tilespmem:$0x1E800] =	vst v63  }
0x55: {  	_ = 	snop  }
0x56: {  	[tilespmem:s19], [sflag:$0x3] =	stream.indirect.gather [hbm4b:s1+s14], $0x80, s23, s14, $0xb8;
	[tilespmem:$0x1E800] =	vst v63  }
0x57: {  	_ = 	snop  }
0x58: {  	[spmem:s3] =	stream.indirect.scatter.add.f32 [tilespmem:s15], [sflag:$0x4], $0x80, s25, s20, $0xb8;
	[tilespmem:$0x1E800] =	vst v63  }
0x59: {  	_ =	swait.ge [sflag:s11], $0x4000  }
0x5a: {  	[sflag:s11] =	ssyncset.done $0x0  }
0x5b: {  	[sflag:s11] =	ssyncadd.s32 $0xFFFFC000  }
0x5c: {  	_ =	swait.ge [sflag:s21], $0x4000  }
0x5d: {  	[sflag:s21] =	ssyncset.done $0x0  }
0x5e: {  	s29 =	simm.s32 $0x0;
	[sflag:s21] =	ssyncadd.s32 $0xFFFFC000  }
0x5f: {  	[tilespmem:s15], [sflag:$0x2] =	stream.indirect.gather [hbm4b:s1+s14], $0x80, s29, s14, $0xb8;
	[tilespmem:$0x1E800] =	vst v63  }
0x60: {  	_ = 	snop  }
0x61: {  	[tilespmem:s16], [sflag:$0x2] =	stream.indirect.gather [hbm4b:s1+s14], $0x80, s14, s14, $0xb8;
	[tilespmem:$0x1E800] =	vst v63  }
0x62: {  	_ = 	snop  }
0x63: {  	[spmem:s3] =	stream.indirect.scatter.add.f32 [tilespmem:s18], [sflag:$0x4], $0x80, s26, s20, $0xb8;
	[tilespmem:$0x1E800] =	vst v63  }
0x64: {  	_ =	swait.ge [sflag:s11], $0x4000  }
0x65: {  	[sflag:s11] =	ssyncset.done $0x0  }
0x66: {  	[sflag:s11] =	ssyncadd.s32 $0xFFFFC000  }
0x67: {  	_ =	swait.ge [sflag:s17], $0x4000  }
0x68: {  	[sflag:s17] =	ssyncset.done $0x0  }
0x69: {  	s30 =	sadd.s32 $0x280, s7;
	[sflag:s17] =	ssyncadd.s32 $0xFFFFC000  }
0x6a: {  	[tilespmem:s29], [sflag:$0x1] =	stream.linear.gather [hbm4b:s30+s29], $0x1400, $0x38;
	[tilespmem:$0x1E800] =	vst v63  }
0x6b: {  	_ =	swait.ge [sflag:s12], $0x1400  }
0x6c: {  	[sflag:s12] =	ssyncset.done $0x0  }
0x6d: {  	s31 =	sadd.s32 $0x280, s8;
	[sflag:s12] =	ssyncadd.s32 $0xFFFFEC00  }
0x6e: {  	[tilespmem:s13], [sflag:$0x1] =	stream.linear.gather [hbm4b:s31+s29], $0x1400, $0x38;
	[tilespmem:$0x1E800] =	vst v63  }
0x6f: {  	_ =	swait.ge [sflag:s12], $0x1400  }
0x70: {  	[sflag:s12] =	ssyncset.done $0x0  }
0x71: {  	[sflag:s12] =	ssyncadd.s32 $0xFFFFEC00  }
0x72: {  	[tilespmem:s15], [sflag:$0x2] =	stream.indirect.gather [hbm4b:s1+s14], $0x80, s29, s14, $0xb8;
	[tilespmem:$0x1E800] =	vst v63  }
0x73: {  	_ = 	snop  }
0x74: {  	[tilespmem:s16], [sflag:$0x2] =	stream.indirect.gather [hbm4b:s1+s14], $0x80, s14, s14, $0xb8;
	[tilespmem:$0x1E800] =	vst v63  }
0x75: {  	_ =	swait.ge [sflag:s17], $0x4000  }
0x76: {  	[sflag:s17] =	ssyncset.done $0x0  }
0x77: {  	s29 =	simm.s32 $0x80;
	[sflag:s17] =	ssyncadd.s32 $0xFFFFC000  }
0x78: {  	[tilespmem:s18], [sflag:$0x3] =	stream.indirect.gather [hbm4b:s1+s14], $0x80, s29, s14, $0xb8;
	[tilespmem:$0x1E800] =	vst v63  }
0x79: {  	s29 =	simm.s32 $0xC0  }
0x7a: {  	[tilespmem:s19], [sflag:$0x3] =	stream.indirect.gather [hbm4b:s1+s14], $0x80, s29, s14, $0xb8;
	[tilespmem:$0x1E800] =	vst v63  }
0x7b: {  	s29 =	simm.s32 $0x1400  }
0x7c: {  	[spmem:s3] =	stream.indirect.scatter.add.f32 [tilespmem:s15], [sflag:$0x4], $0x80, s29, s20, $0xb8;
	[tilespmem:$0x1E800] =	vst v63  }
0x7d: {  	_ =	swait.ge [sflag:s11], $0x4000  }
0x7e: {  	[sflag:s11] =	ssyncset.done $0x0  }
0x7f: {  	[sflag:s11] =	ssyncadd.s32 $0xFFFFC000  }
0x80: {  	_ =	swait.ge [sflag:s21], $0x4000  }
0x81: {  	[sflag:s21] =	ssyncset.done $0x0  }
0x82: {  	s29 =	simm.s32 $0x100;
	[sflag:s21] =	ssyncadd.s32 $0xFFFFC000  }
0x83: {  	[tilespmem:s15], [sflag:$0x2] =	stream.indirect.gather [hbm4b:s1+s14], $0x80, s29, s14, $0xb8;
	[tilespmem:$0x1E800] =	vst v63  }
0x84: {  	s29 =	simm.s32 $0x140  }
0x85: {  	[tilespmem:s16], [sflag:$0x2] =	stream.indirect.gather [hbm4b:s1+s14], $0x80, s29, s14, $0xb8;
	[tilespmem:$0x1E800] =	vst v63  }
0x86: {  	s29 =	simm.s32 $0x1480  }
0x87: {  	[spmem:s3] =	stream.indirect.scatter.add.f32 [tilespmem:s18], [sflag:$0x4], $0x80, s29, s20, $0xb8;
	[tilespmem:$0x1E800] =	vst v63  }
0x88: {  	_ =	swait.ge [sflag:s11], $0x4000  }
0x89: {  	s29 =	simm.s32 $0x400;
	[sflag:s11] =	ssyncset.done $0x0  }
.LBB2_4:
0x8a: {  	p0 =	sne.s32 s29, $0x4800  }
0x8b: {  	[sflag:s11] =	ssyncadd.s32 $0xFFFFC000;
	s30 =	smov.u32 s29;
	s29 =	sadd.s32 $0x400, s29  }
0x8c: {  	_ = 	snop  }
0x8d: {  	_ =	swait.ge [sflag:s17], $0x4000  }
0x8e: {  	s30 =	sshra.s32 s30, $0x2;
	[sflag:s17] =	ssyncset.done $0x0  }
0x8f: {  	s31 =	sadd.s32 $0x80, s30;
	[sflag:s17] =	ssyncadd.s32 $0xFFFFC000  }
0x90: {  	[tilespmem:s18], [sflag:$0x3] =	stream.indirect.gather [hbm4b:s1+s14], $0x80, s31, s14, $0xb8;
	[tilespmem:$0x1E800] =	vst v63  }
0x91: {  	s31 =	sadd.s32 $0xC0, s30  }
0x92: {  	[tilespmem:s19], [sflag:$0x3] =	stream.indirect.gather [hbm4b:s1+s14], $0x80, s31, s14, $0xb8;
	[tilespmem:$0x1E800] =	vst v63  }
0x93: {  	s31 =	sadd.s32 $0x1400, s30  }
0x94: {  	[spmem:s3] =	stream.indirect.scatter.add.f32 [tilespmem:s15], [sflag:$0x4], $0x80, s31, s20, $0xb8;
	[tilespmem:$0x1E800] =	vst v63  }
0x95: {  	_ =	swait.ge [sflag:s11], $0x4000  }
0x96: {  	[sflag:s11] =	ssyncset.done $0x0  }
0x97: {  	[sflag:s11] =	ssyncadd.s32 $0xFFFFC000  }
0x98: {  	_ =	swait.ge [sflag:s21], $0x4000  }
0x99: {  	[sflag:s21] =	ssyncset.done $0x0  }
0x9a: {  	s31 =	sadd.s32 $0x100, s30;
	[sflag:s21] =	ssyncadd.s32 $0xFFFFC000  }
0x9b: {  	[tilespmem:s15], [sflag:$0x2] =	stream.indirect.gather [hbm4b:s1+s14], $0x80, s31, s14, $0xb8;
	[tilespmem:$0x1E800] =	vst v63  }
0x9c: {  	s31 =	sadd.s32 $0x140, s30  }
0x9d: {  	[tilespmem:s16], [sflag:$0x2] =	stream.indirect.gather [hbm4b:s1+s14], $0x80, s31, s14, $0xb8;
	[tilespmem:$0x1E800] =	vst v63  }
.Ltmp1:
0x9e: {  	_ = 	snop;
	(pc) =	sbr.rel @p0 .LBB2_4-.Ltmp1, $4  }
0x9f: {  	s30 =	sadd.s32 $0x1480, s30  }
0xa0: {  	[spmem:s3] =	stream.indirect.scatter.add.f32 [tilespmem:s18], [sflag:$0x4], $0x80, s30, s20, $0xb8;
	[tilespmem:$0x1E800] =	vst v63  }
0xa1: {  	_ =	swait.ge [sflag:s11], $0x4000  }
0xa2: {  	[sflag:s11] =	ssyncset.done $0x0  }
0xa3: {  	[sflag:s11] =	ssyncadd.s32 $0xFFFFC000  }
0xa4: {  	_ =	swait.ge [sflag:s17], $0x4000  }
0xa5: {  	[sflag:s17] =	ssyncset.done $0x0  }
0xa6: {  	[sflag:s17] =	ssyncadd.s32 $0xFFFFC000  }
0xa7: {  	[tilespmem:s18], [sflag:$0x3] =	stream.indirect.gather [hbm4b:s1+s14], $0x80, s22, s14, $0xb8;
	[tilespmem:$0x1E800] =	vst v63  }
0xa8: {  	_ = 	snop  }
0xa9: {  	[tilespmem:s19], [sflag:$0x3] =	stream.indirect.gather [hbm4b:s1+s14], $0x80, s23, s14, $0xb8;
	[tilespmem:$0x1E800] =	vst v63  }
0xaa: {  	_ = 	snop  }
0xab: {  	[spmem:s3] =	stream.indirect.scatter.add.f32 [tilespmem:s15], [sflag:$0x4], $0x80, s25, s20, $0xb8;
	[tilespmem:$0x1E800] =	vst v63  }
0xac: {  	_ =	swait.ge [sflag:s11], $0x4000  }
0xad: {  	[sflag:s11] =	ssyncset.done $0x0  }
0xae: {  	[sflag:s11] =	ssyncadd.s32 $0xFFFFC000  }
0xaf: {  	_ =	swait.ge [sflag:s21], $0x4000  }
0xb0: {  	[sflag:s21] =	ssyncset.done $0x0  }
0xb1: {  	[sflag:s21] =	ssyncadd.s32 $0xFFFFC000  }
0xb2: {  	[tilespmem:s15], [sflag:$0x2] =	stream.indirect.gather [hbm4b:s1+s14], $0x80, s4, s14, $0xb8;
	[tilespmem:$0x1E800] =	vst v63  }
0xb3: {  	_ = 	snop  }
0xb4: {  	[tilespmem:s16], [sflag:$0x2] =	stream.indirect.gather [hbm4b:s1+s14], $0x80, s14, s14, $0xb8;
	[tilespmem:$0x1E800] =	vst v63  }
0xb5: {  	_ = 	snop  }
0xb6: {  	[spmem:s3] =	stream.indirect.scatter.add.f32 [tilespmem:s18], [sflag:$0x4], $0x80, s26, s20, $0xb8;
	[tilespmem:$0x1E800] =	vst v63  }
0xb7: {  	_ =	swait.ge [sflag:s11], $0x4000  }
0xb8: {  	[sflag:s11] =	ssyncset.done $0x0  }
0xb9: {  	[sflag:s11] =	ssyncadd.s32 $0xFFFFC000  }
0xba: {  	_ =	swait.ge [sflag:s17], $0x4000  }
0xbb: {  	s28 =	sadd.s32 $0x1, s28;
	[sflag:s17] =	ssyncset.done $0x0  }
0xbc: {  	p0 =	sne.s32 s28, s9;
	[sflag:s17] =	ssyncadd.s32 $0xFFFFC000  }
.Ltmp2:
0xbd: {  	[bflag:$0x0] =	sbarrier.arrive $0xFFFF;
	(pc) =	sbr.rel @p0 .LBB2_1-.Ltmp2, $4  }
0xbe: {  	[hbm:s24], [sflag:s6] =	dma.local [spmem:s10], $0x2800  }
0xbf: {  	_ =	swait.ge [sflag:s11], $0x2800  }
0xc0: {  	[sflag:s11] =	ssyncset.done $0x0  }
0xc1: {  	[sflag:s11] =	ssyncadd.s32 $0xFFFFD800  }
0xc2: {  	_ =	sfence.sel $0x180000  }
0xc3: {  	[bflag:$0x0] =	sbarrier.arrive $0xFFFF  }
0xc4: {  	p0 =	sne.s32 s0, $0x0;
	_ =	strace $0x9000004D  }
0xc5: {  	s0 =	sadd.s32 @!p0 $0x100000, s2;
	[bflag:$0x2] =	sbarrier.arrive $0xFFFF  }
0xc6: {  	[sflag:s0] =	ssyncadd.tile.s32 @!p0 $0x1;
	_ =	shalt  }
.Lfunc_end2:
_tile_overlayer_lowered:
.L_overlay_start_2:
0xc7: {  	(tag) =	ssettag $0x2  }
0xc8: {  	s0 =	rddreg [dreg:$0x0];
	s2 =	stileid.u32  }
0xc9: {  	s1 =	rddreg [dreg:$0x1];
	p0 =	sne.s32 s2, $0x0  }
0xca: {  	s3 =	rddreg [dreg:$0x2];
	[bflag:$0x3] =	sbarrier.arrive $0xFFFF;
	s2 =	simm.s32 @!p0 $0x1C04  }
0xcb: {  	[timem:s3], [sflag:s2] =	dma.local @!p0 [hbm:s0], s1  }
0xcc: {  	s0 =	simm.s32 @!p0 $0x4  }
0xcd: {  	_ =	swait.ge @!p0 [sflag:s0], s1  }
0xce: {  	s1 =	ssub.s32 @!p0 $0x0, s1;
	[sflag:s0] =	ssyncset.done @!p0 $0x0  }
0xcf: {  	[sflag:s0] =	ssyncadd.s32 @!p0 s1  }
0xd0: {  	[bflag:$0x3] =	sbarrier.arrive $0xFFFF  }
0xd1: {  	_ =	shalt  }

// kernel: kernel.9.cloned.1.call-start
scs
__scs_entry_jumppad:
0x0: {  	(pc) =	sbr.rel $0x88, $3  }
0x1: {  	(tag) =	ssettag $0x0;
	lr =	simm.s32 $0x1  }
0x2: {  	[smem:$0x3F9B] =	sst lr;
	_ =	strace $0xD0000000  }
0x3: {  	_ = 	snop  }
0x4: {  	_ = 	snop  }
0x5: {  	_ = 	snop  }
0x6: {  	_ = 	snop  }
0x7: {  	_ = 	snop  }
__scs_overlays_trampoline_lowered:
0x8: {  	[smem:$0x3FAA] =	sst s0  }
0x9: {  	[smem:$0x3FAB] =	sst s1  }
0xa: {  	[smem:$0x3FAC] =	sst s2  }
0xb: {  	[smem:$0x3FAD] =	sst s3  }
0xc: {  	[smem:$0x3FAE] =	sst s4  }
0xd: {  	[smem:$0x3FAF] =	sst s5  }
0xe: {  	[smem:$0x3FB0] =	sst s6  }
0xf: {  	[smem:$0x3FB1] =	sst s7  }
0x10: {  	[smem:$0x3FB2] =	sst s8  }
0x11: {  	[smem:$0x3FB3] =	sst s9;
	s0 =	simm.s32 @!p0 $0x0  }
0x12: {  	s1 =	sld [smem:$0x3F99];
	s0 =	simm.s32 @p0 $0x1  }
0x13: {  	[smem:$0x3FB4] =	sst s0;
	s0 =	simm.s32 @!p1 $0x0  }
0x14: {  	s2 =	sld [smem:$0x3F98];
	s0 =	simm.s32 @p1 $0x1  }
0x15: {  	[smem:$0x3FB5] =	sst s0;
	s0 =	simm.s32 @!p2 $0x0  }
0x16: {  	s3 =	sld [smem:$0x3FDB];
	s0 =	simm.s32 @p2 $0x1  }
0x17: {  	s4 =	simm.s32 $0x1BF5;
	[smem:$0x3FB7] =	sst s0  }
0x18: {  	s0 =	sld [smem:$0x3F9A];
	_ =	swait.ge [sflag:s4], $0x0  }
0x19: {  	s7 =	sld [smem:$0x3F9B]  }
0x1a: {  	s8 =	sadd.s32 $0xFFFFE003, lr  }
0x1b: {  	s9 =	sadd.s32 $0xFFFFFEF7, lr;
	s5 =	simm.s32 $0xFFFFFFFF;
	p2 =	slt.u32 s8, $0xFFFFF086  }
0x1c: {  	p1 =	slt.u32 s9, $0xF7A;
	s5 =	simm.s32 @!p2 $0x0  }
0x1d: {  	s5 =	simm.s32 @p1 $0x1;
	p0 =	seq.s32 s7, s2  }
0x1e: {  	s7 =	smul.u32 @!p0 $0xF7A, s2;
	p2 =	seq.s32 @!p0 s5, $0x0  }
0x1f: {  	s9 =	smul.u32 $0xF7A, s1;
	s8 =	simm.s32 @!p0 $0x1BF5;
	p2 =	por !p2, p0  }
0x20: {  	[sflag:s8] =	ssyncset.s32 @!p0 $0xFFFFF086;
	s6 =	sadd.s32 @!p0 s3, s7;
	s7 =	simm.s32 @!p0 $0x108  }
0x21: {  	s3 =	sadd.s32 s3, s9;
	s6 =	sadd.s32 @!p0 $0x88, s6;
	s7 =	simm.s32 @p2 $0x1082  }
0x22: {  	[simem:s7], [sflag:s8] =	dma.local @!p0 [hbm:s6], $0xF7A  }
0x23: {  	s9 =	sor.u32 $0xD0000000, s2;
	s6 =	simm.s32 $0x108;
	_ =	swait.ge @!p0 [sflag:s8], $0x0  }
0x24: {  	s3 =	sadd.s32 $0x88, s3;
	s6 =	simm.s32 @!p1 $0x1082;
	[sflag:s4] =	ssyncset.s32 $0xFFFFF086  }
0x25: {  	[simem:s6], [sflag:s4] =	dma.local [hbm:s3], $0xF7A  }
0x26: {  	[smem:$0x3F9B] =	sst s1;
	(tag) =	ssettag s2;
	_ =	strace s9  }
0x27: {  	s1 =	sld [smem:$0x3FAB]  }
0x28: {  	s2 =	sld [smem:$0x3FAC]  }
0x29: {  	s4 =	sld [smem:$0x3FAE]  }
0x2a: {  	p0 =	seq.s32 s5, $0x0;
	s5 =	sld [smem:$0x3FAF]  }
0x2b: {  	s6 =	sld [smem:$0x3FB0]  }
0x2c: {  	s7 =	sld [smem:$0x3FB1]  }
0x2d: {  	s3 =	simm.s32 $0x108;
	s8 =	sld [smem:$0x3FB2]  }
0x2e: {  	s3 =	simm.s32 @!p0 $0x1082;
	s9 =	sld [smem:$0x3FB3]  }
0x2f: {  	lr =	sadd.s32 s0, s3;
	s0 =	sld [smem:$0x3FAA]  }
0x30: {  	s3 =	sld [smem:$0x3FAD]  }
0x31: {  	[smem:$0x3FB6] =	sst s10  }
0x32: {  	s10 =	sld [smem:$0x3FB4];
	_ =	sdelay $0x3  }
0x33: {  	p0 =	seq.s32 s10, $0x1;
	s10 =	sld [smem:$0x3FB6];
	_ =	sdelay $0x3  }
0x34: {  	[smem:$0x3FB6] =	sst s10  }
0x35: {  	s10 =	sld [smem:$0x3FB5];
	_ =	sdelay $0x3  }
0x36: {  	p1 =	seq.s32 s10, $0x1;
	s10 =	sld [smem:$0x3FB6];
	_ =	sdelay $0x3  }
0x37: {  	[smem:$0x3FB6] =	sst s10  }
0x38: {  	s10 =	sld [smem:$0x3FB7]  }
0x39: {  	_ = 	snop;
	(pc) =	sbr.ind lr, $3  }
0x3a: {  	_ = 	snop  }
0x3b: {  	_ = 	snop  }
0x3c: {  	p2 =	seq.s32 s10, $0x1;
	s10 =	sld [smem:$0x3FB6]  }
0x3d: {  	_ =	shalt  }
0x3e: {  	_ =	shalt  }
0x3f: {  	_ =	shalt  }
0x40: {  	_ =	shalt  }
0x41: {  	_ =	shalt  }
0x42: {  	_ =	shalt  }
0x43: {  	_ =	shalt  }
0x44: {  	_ =	shalt  }
0x45: {  	_ =	shalt  }
0x46: {  	_ =	shalt  }
0x47: {  	_ =	shalt  }
0x48: {  	_ =	shalt  }
0x49: {  	_ =	shalt  }
0x4a: {  	_ =	shalt  }
0x4b: {  	_ =	shalt  }
0x4c: {  	_ =	shalt  }
0x4d: {  	_ =	shalt  }
0x4e: {  	_ =	shalt  }
0x4f: {  	_ =	shalt  }
0x50: {  	_ =	shalt  }
0x51: {  	_ =	shalt  }
0x52: {  	_ =	shalt  }
0x53: {  	_ =	shalt  }
0x54: {  	_ =	shalt  }
0x55: {  	_ =	shalt  }
0x56: {  	_ =	shalt  }
0x57: {  	_ =	shalt  }
0x58: {  	_ =	shalt  }
0x59: {  	_ =	shalt  }
0x5a: {  	_ =	shalt  }
0x5b: {  	_ =	shalt  }
0x5c: {  	_ =	shalt  }
0x5d: {  	_ =	shalt  }
0x5e: {  	_ =	shalt  }
0x5f: {  	_ =	shalt  }
0x60: {  	_ =	shalt  }
0x61: {  	_ =	shalt  }
0x62: {  	_ =	shalt  }
0x63: {  	_ =	shalt  }
0x64: {  	_ =	shalt  }
0x65: {  	_ =	shalt  }
0x66: {  	_ =	shalt  }
0x67: {  	_ =	shalt  }
0x68: {  	_ =	shalt  }
0x69: {  	_ =	shalt  }
0x6a: {  	_ =	shalt  }
0x6b: {  	_ =	shalt  }
0x6c: {  	_ =	shalt  }
0x6d: {  	_ =	shalt  }
0x6e: {  	_ =	shalt  }
0x6f: {  	_ =	shalt  }
0x70: {  	_ =	shalt  }
0x71: {  	_ =	shalt  }
0x72: {  	_ =	shalt  }
0x73: {  	_ =	shalt  }
0x74: {  	_ =	shalt  }
0x75: {  	_ =	shalt  }
0x76: {  	_ =	shalt  }
0x77: {  	_ =	shalt  }
0x78: {  	_ =	shalt  }
0x79: {  	_ =	shalt  }
0x7a: {  	_ =	shalt  }
0x7b: {  	_ =	shalt  }
0x7c: {  	_ =	shalt  }
0x7d: {  	_ =	shalt  }
0x7e: {  	_ =	shalt  }
0x7f: {  	_ =	shalt  }
0x80: {  	_ =	shalt  }
0x81: {  	_ =	shalt  }
0x82: {  	_ =	shalt  }
0x83: {  	_ =	shalt  }
0x84: {  	_ =	shalt  }
0x85: {  	_ =	shalt  }
0x86: {  	_ =	shalt  }
0x87: {  	_ =	shalt  }
.Lfunc_end0:
.L_simem_size_0:
called_computation_lowered:
.L_overlay_start_0:
0x88: {  	s2 =	sld [smem:$0x3FD9]  }
0x89: {  	s3 =	sld [smem:$0x3FFE];
	_ =	sdelay $0x1  }
0x8a: {  	s1 =	srdreg.scid  }
0x8b: {  	s0 =	sand.u32 $0x1, s1  }
0x8c: {  	s17 =	sshll.u32 s0, $0xA;
	s2 =	sadd.s32 s3, s2  }
0x8d: {  	s2 =	sadd.s32 s2, s17  }
0x8e: {  	[smem:$0x3FC2] =	sst s2  }
0x8f: {  	_ = 	snop  }
0x90: {  	s2 =	sld [smem:$0x3FD0];
	(tm) =	ssettm $0x1  }
0x91: {  	s18 =	sld [smem:$0x3FFB];
	_ =	sdelay $0x3  }
0x92: {  	_ =	strace s18  }
0x93: {  	s3 =	sld [smem:$0x3FFC];
	_ =	sdelay $0x3  }
0x94: {  	_ =	strace s3  }
0x95: {  	s3 =	sld [smem:$0x3FFD];
	_ =	sdelay $0x3  }
0x96: {  	_ =	strace s3  }
0x97: {  	_ =	strace $0x8FFFFFFF  }
0x98: {  	s19 =	sld [smem:$0x3FDB];
	_ =	sdelay $0x1  }
0x99: {  	s4 =	simm.s32 $_scs_section_size  }
0x9a: {  	s5 =	simm.s32 $_size__tile_overlayer_lowered;
	s6 =	simm.s32 $_tile_overlayer_lowered  }
0x9b: {  	s22 =	simm.s32 $0x1BFF;
	s21 =	sshll.u32 s6, $0x1;
	s3 =	sadd.s32 s4, s19  }
0x9c: {  	s7 =	simm.s32 $0x0;
	s20 =	sshll.u32 s5, $0x1;
	s5 =	sadd.s32 s21, s3  }
0x9d: {  	[timem:s7], [sflag:s22] =	dma.local [hbm:s5], s20  }
0x9e: {  	_ =	swait.ge [sflag:s22], s20  }
0x9f: {  	s4 =	ssub.s32 $0x0, s20;
	[sflag:s22] =	ssyncset.done $0x0  }
0xa0: {  	[sflag:s22] =	ssyncadd.s32 s4;
	_ =	sdelay $0x1  }
0xa1: {  	s23 =	simm.s32 $0x1B8B  }
0xa2: {  	_ =	swait.ge [sflag:s23], $0x1  }
0xa3: {  	[sflag:s23] =	ssyncset.done $0x0  }
0xa4: {  	s25 =	simm.s32 $0x1B8E;
	s24 =	sld [smem:$0x3FFE];
	[sflag:s23] =	ssyncadd.s32 $0xFFFFFFFF  }
0xa5: {  	s26 =	simm.s32 $execute0_lowered;
	[smem:$0x3FD2] =	sst s25  }
0xa6: {  	s5 =	sshll.u32 s26, $0x1;
	_ =	strace $0x80000046;
	[dreg:$0x1] =	wrdreg $0xFFFFFFFF  }
0xa7: {  	s28 =	simm.s32 $_size_execute0_lowered;
	s3 =	sadd.s32 s3, s5;
	[dreg:$0x0] =	wrdreg $0x0  }
0xa8: {  	s5 =	sshll.u32 s28, $0x1;
	[dreg:$0x2] =	wrdreg s3  }
0xa9: {  	[dreg:$0x3] =	wrdreg s5  }
0xaa: {  	[dreg:$0x4] =	wrdreg $0xC0  }
0xab: {  	_ =	task [dreg:s7], $0x5FFFF  }
0xac: {  	[dreg:$0x1] =	wrdreg $0xFFFFFFFF  }
0xad: {  	[dreg:$0x0] =	wrdreg $0x60  }
0xae: {  	[dreg:$0x2] =	wrdreg s24  }
0xaf: {  	[dreg:$0x3] =	wrdreg s2  }
0xb0: {  	[dreg:$0x4] =	wrdreg $0x9  }
0xb1: {  	_ =	task.clear_ibuf [dreg:s7], $0x5FFFF;
	_ =	strace $0x90000046  }
0xb2: {  	s29 =	simm.s32 $0x9;
	_ =	strace $0x80000048  }
0xb3: {  	_ =	swait.ge [sflag:s29], $0x1  }
0xb4: {  	[sflag:s29] =	ssyncadd.s32 $0xFFFFFFFF  }
0xb5: {  	_ =	strace $0x90000048  }
0xb6: {  	_ =	sfence  }
0xb7: {  	s30 =	sld [smem:$0x0];
	_ =	sdelay $0x2  }
0xb8: {  	s31 =	sshll.u32 s1, $0xD;
	s1 =	sshrl.u32 s1, $0x2  }
0xb9: {  	s3 =	sand.u32 $0x4000, s31;
	s1 =	sadd.s32 s1, s30  }
0xba: {  	s0 =	sor.u32 s3, s0;
	s1 =	sshll.u32 s1, $0x11  }
0xbb: {  	s0 =	sor.u32 s1, s0  }
0xbc: {  	s0 =	sadd.s32 $0x8F2B, s0  }
0xbd: {  	[sflag:s0] =	ssyncadd.remote.s32 $0x1  }
0xbe: {  	_ =	sfence.sel $0xFFFF  }
0xbf: {  	[dreg:$0x0] =	wrdreg $0xFFFFFFFF;
	(pc) =	sbr.abs _section_cstart, $3  }
0xc0: {  	[dreg:$0x1] =	wrdreg $0xFFFFFFFF  }
0xc1: {  	_ =	task.clear_ibuf [dreg:s7], $0x2FFFF;
	_ =	strace $0x9FFFFFFF  }
0xc2: {  	(tm) =	ssettm $0x7FFFFFFF  }
0xc3: {  	_ =	shalt  }
tec
execute0_lowered:
.L_overlay_start_1:
0x0: {  	(tag) =	ssettag $0x1  }
0x1: {  	s4 =	rddreg [dreg:$0x0]  }
0x2: {  	s0 =	srdreg.scid;
	s5 =	rddreg [dreg:$0x1];
	s2 =	simm.s32 $0x0  }
0x3: {  	s10 =	simm.s32 $0x2;
	s11 =	simm.s32 $0x0;
	s3 =	sand.u32 $0x1, s0  }
0x4: {  	s0 =	stileid.u32;
	[smem:$0x7FF] =	sst s2;
	s1 =	sshll.u32 s3, $0x4  }
0x5: {  	s8 =	sshll.u32 s0, $0x7;
	s3 =	ssub.s32 $0x2, s3;
	s6 =	sor.u32 s0, s1  }
0x6: {  	s1 =	rddreg [dreg:$0x2];
	s7 =	sshrl.u32 s6, $0x3;
	s6 =	smul.u32 $0x500, s6  }
0x7: {  	s8 =	sand.u32 $0x380, s8;
	s9 =	sshrl.u32 s3, $0x1;
	s7 =	smul.u32 $0x14000, s7  }
0x8: {  	_ =	strace $0x80000047;
	s31 =	ssub.s32 s3, s9;
	s9 =	simm.s32 $0x400  }
0x9: {  	s4 =	sadd.s32 s6, s4;
	s6 =	simm.s32 $0x1;
	s7 =	sor.u32 s8, s7  }
0xa: {  	s3 =	sadd.s32 $0x2600, s4;
	s8 =	simm.s32 $0x80;
	s7 =	sshrl.u32 s7, $0x3  }
0xb: {  	v0 =	vimm.f32 $0.0e+00;
	v1 =	vimm.f32 $1.000000000e+00;
	s4 =	sadd.s32 s5, s7;
	s5 =	smax.u32 s31, $0x1;
	s7 =	simm.s32 $0x2800  }
.LBB2_1:
0xc: {  	[tilespmem:s2], [sflag:$0x1] =	stream.linear.gather [hbm4b:s3+s2], $0x2800, $0x38;
	[tilespmem:$0x5000] =	vst v63  }
0xd: {  	_ =	swait.ge [sflag:s6], $0x2800  }
0xe: {  	[sflag:s6] =	ssyncset.done $0x0  }
0xf: {  	s12 =	simm.s32 $0x0;
	[sflag:s6] =	ssyncadd.s32 $0xFFFFD800  }
.LBB2_2:
0x10: {  	p0 =	sne.s32 s12, $0x9FC0  }
.Ltmp0:
0x11: {  	_ = 	snop;
	(pc) =	sbr.rel @p0 .LBB2_2-.Ltmp0, $3  }
0x12: {  	_ =	sdelay $0x1  }
0x13: {  	s13 =	sshra.s32 s12, $0x2  }
0x14: {  	s12 =	sadd.s32 $0x40, s12;
	[tilespmem:s13+$0x2800] =	vst v0  }
0x15: {  	s12 =	simm.s32 $0x1C0  }
.LBB2_4:
0x16: {  	s13 =	sshra.s32 s12, $0x2  }
0x17: {  	v2 =	vld [tilespmem:s13+$0xFFFFFF90];
	_ =	sdelay $0x7  }
0x18: {  	[tilespmem:v2+s7+$0x0] =	vst.idx.add.f32.msk $0xffff, v1  }
0x19: {  	v2 =	vld [tilespmem:s13+$0xFFFFFFA0];
	_ =	sdelay $0x7  }
0x1a: {  	[tilespmem:v2+s7+$0x0] =	vst.idx.add.f32.msk $0xffff, v1  }
0x1b: {  	v2 =	vld [tilespmem:s13+$0xFFFFFFB0];
	_ =	sdelay $0x7  }
0x1c: {  	[tilespmem:v2+s7+$0x0] =	vst.idx.add.f32.msk $0xffff, v1  }
0x1d: {  	v2 =	vld [tilespmem:s13+$0xFFFFFFC0];
	_ =	sdelay $0x7  }
0x1e: {  	[tilespmem:v2+s7+$0x0] =	vst.idx.add.f32.msk $0xffff, v1  }
0x1f: {  	v2 =	vld [tilespmem:s13+$0xFFFFFFD0];
	_ =	sdelay $0x7  }
0x20: {  	[tilespmem:v2+s7+$0x0] =	vst.idx.add.f32.msk $0xffff, v1  }
0x21: {  	v2 =	vld [tilespmem:s13+$0xFFFFFFE0];
	_ =	sdelay $0x7  }
0x22: {  	[tilespmem:v2+s7+$0x0] =	vst.idx.add.f32.msk $0xffff, v1  }
0x23: {  	v2 =	vld [tilespmem:s13+$0xFFFFFFF0];
	_ =	sdelay $0x7  }
0x24: {  	[tilespmem:v2+s7+$0x0] =	vst.idx.add.f32.msk $0xffff, v1  }
0x25: {  	v2 =	vld [tilespmem:s13+$0x0];
	_ =	sdelay $0x2  }
0x26: {  	p0 =	sne.s32 s12, $0x9FC0  }
.Ltmp1:
0x27: {  	_ = 	snop;
	(pc) =	sbr.rel @p0 .LBB2_4-.Ltmp1, $2  }
0x28: {  	_ =	sdelay $0x2  }
0x29: {  	s12 =	sadd.s32 $0x200, s12;
	[tilespmem:v2+s7+$0x0] =	vst.idx.add.f32.msk $0xffff, v1  }
0x2a: {  	s11 =	sadd.s32 $0x1, s11  }
0x2b: {  	p0 =	sne.s32 s11, s5  }
.Ltmp2:
0x2c: {  	_ = 	snop;
	(pc) =	sbr.rel @p0 .LBB2_1-.Ltmp2, $4  }
0x2d: {  	[hbm4b:s4+s8] =	stream.strided.scatter [tilespmem:s7], [sflag:$0x2], $0x2800, s9, s8, $0x38;
	[tilespmem:$0x5000] =	vst v63  }
0x2e: {  	_ =	swait.ge [sflag:s10], $0x2800  }
0x2f: {  	[sflag:s10] =	ssyncset.done $0x0  }
0x30: {  	[sflag:s10] =	ssyncadd.s32 $0xFFFFD800  }
0x31: {  	_ =	sfence.sel $0x180000  }
0x32: {  	[bflag:$0x0] =	sbarrier.arrive $0xFFFF  }
0x33: {  	p0 =	sne.s32 s0, $0x0;
	_ =	strace $0x90000047  }
0x34: {  	s0 =	sadd.s32 @!p0 $0x100000, s1;
	[bflag:$0x2] =	sbarrier.arrive $0xFFFF  }
0x35: {  	[sflag:s0] =	ssyncadd.tile.s32 @!p0 $0x1;
	_ =	shalt  }
.Lfunc_end2:
_tile_overlayer_lowered:
.L_overlay_start_2:
0x36: {  	(tag) =	ssettag $0x2  }
0x37: {  	s0 =	rddreg [dreg:$0x0];
	s2 =	stileid.u32  }
0x38: {  	s1 =	rddreg [dreg:$0x1];
	p0 =	sne.s32 s2, $0x0  }
0x39: {  	s3 =	rddreg [dreg:$0x2];
	[bflag:$0x3] =	sbarrier.arrive $0xFFFF;
	s2 =	simm.s32 @!p0 $0x1C02  }
0x3a: {  	[timem:s3], [sflag:s2] =	dma.local @!p0 [hbm:s0], s1  }
0x3b: {  	s0 =	simm.s32 @!p0 $0x2  }
0x3c: {  	_ =	swait.ge @!p0 [sflag:s0], s1  }
0x3d: {  	s1 =	ssub.s32 @!p0 $0x0, s1;
	[sflag:s0] =	ssyncset.done @!p0 $0x0  }
0x3e: {  	[sflag:s0] =	ssyncadd.s32 @!p0 s1  }
0x3f: {  	[bflag:$0x3] =	sbarrier.arrive $0xFFFF  }
0x40: {  	_ =	shalt  }

</sc_bundles>
